<compile_context>
chip_gen: v7x
topology: tpu7x:2x2x1
jax: 0.10.2.dev20260603
libtpu: 0.0.44.dev20260713+nightly
codegen_flags: <defaults>
</compile_context>

<pallas_src>
import functools

import jax
import jax.numpy as jnp
from jax import lax
from jax.experimental import pallas as pl
from jax.experimental.pallas import tpu as pltpu
from jax.experimental.pallas import tpu_sc as plsc

N = 10000
NP = 10240
E = 320000
BLK = 128
BPT = 80
CH = 2
CB = BPT // CH
NW = 32
EPAD = NW * BPT * BLK
RS = NP // 16

_mesh = plsc.VectorSubcoreMesh(core_axis_name="c", subcore_axis_name="s")


@functools.partial(
    pl.kernel,
    mesh=_mesh,
    out_type=jax.ShapeDtypeStruct((2, NP, 128), jnp.float32),
    compiler_params=pltpu.CompilerParams(use_tc_tiling_on_sc=False),
    scratch_types=[
        pltpu.VMEM((CB, BLK), jnp.int32),
        pltpu.VMEM((CB, BLK), jnp.int32),
        pltpu.VMEM((BLK, 128), jnp.float32),
        pltpu.VMEM((BLK, 128), jnp.float32),
        pltpu.VMEM_SHARED((NP, 128), jnp.float32),
        pltpu.SemaphoreType.DMA,
        pltpu.SemaphoreType.DMA,
    ],
)
def _agg(xp, srcs, dsts, zeros, out, src_v, dst_v, buf_a, buf_b, acc,
         sem_a, sem_b):
    c = lax.axis_index("c")
    s = lax.axis_index("s")
    wid = s * 2 + c
    pltpu.sync_copy(zeros, acc.at[pl.ds(s * RS, RS)])
    plsc.subcore_barrier()

    def chunk(k, carry):
        pltpu.sync_copy(srcs.at[wid, pl.ds(k * CB, CB)], src_v)
        pltpu.sync_copy(dsts.at[wid, pl.ds(k * CB, CB)], dst_v)
        pltpu.async_copy(xp.at[src_v.at[0]], buf_a, sem_a)

        def pair(p, carry2):
            j0 = 2 * p
            j1 = j0 + 1
            pltpu.async_copy(xp.at[src_v.at[j1]], buf_b, sem_b)
            pltpu.make_async_copy(xp.at[src_v.at[j0]], buf_a, sem_a).wait()
            pltpu.sync_copy(buf_a, acc.at[dst_v.at[j0]], add=True)

            @pl.when(j0 + 2 < CB)
            def _():
                pltpu.async_copy(xp.at[src_v.at[j0 + 2]], buf_a, sem_a)

            pltpu.make_async_copy(xp.at[src_v.at[j1]], buf_b, sem_b).wait()
            pltpu.sync_copy(buf_b, acc.at[dst_v.at[j1]], add=True)
            return carry2

        lax.fori_loop(0, CB // 2, pair, 0)
        return carry

    lax.fori_loop(0, CH, chunk, 0)
    plsc.subcore_barrier()
    pltpu.sync_copy(acc.at[pl.ds(s * RS, RS)],
                    out.at[c, pl.ds(s * RS, RS)])


@functools.partial(
    pl.kernel,
    mesh=_mesh,
    out_type=jax.ShapeDtypeStruct((2, NP // 8, 128), jnp.float32),
    compiler_params=pltpu.CompilerParams(use_tc_tiling_on_sc=False),
    scratch_types=[
        pltpu.VMEM((BPT, BLK), jnp.int32),
        pltpu.VMEM((BLK, 16), jnp.float32),
        pltpu.VMEM((RS, 16), jnp.float32),
        pltpu.VMEM((RS // 8, 128), jnp.float32),
        pltpu.VMEM_SHARED((NP, 16), jnp.float32),
    ],
)
def _deg_kernel(dsts, out, dst_v, ones_v, buf16, buf128, acc):
    c = lax.axis_index("c")
    s = lax.axis_index("s")
    wid = s * 2 + c
    pltpu.sync_copy(dsts.at[wid], dst_v)

    one = jnp.full((16,), 1.0, jnp.float32)
    zero = jnp.zeros((16,), jnp.float32)

    def fill_ones(i, carry):
        ones_v[i, :] = one
        return carry

    lax.fori_loop(0, BLK, fill_ones, 0)

    def fill_zero(i, carry):
        buf16[i, :] = zero
        return carry

    lax.fori_loop(0, RS, fill_zero, 0)
    pltpu.sync_copy(buf16, acc.at[pl.ds(s * RS, RS)])
    plsc.subcore_barrier()

    def step(j, carry):
        pltpu.sync_copy(ones_v, acc.at[dst_v.at[j]], add=True)
        return carry

    lax.fori_loop(0, BPT, step, 0)
    plsc.subcore_barrier()

    pltpu.sync_copy(acc.at[pl.ds(s * RS, RS)], buf16)

    def repack(ro, carry):
        for g in range(8):
            buf128[ro, pl.ds(g * 16, 16)] = buf16[ro * 8 + g, :]
        return carry

    lax.fori_loop(0, RS // 8, repack, 0)
    pltpu.sync_copy(buf128, out.at[c, pl.ds(s * (RS // 8), RS // 8)])


_R = 1280


def _mm_body(x_ref, w_ref, xw_ref):
    xw_ref[...] = jnp.dot(x_ref[...], w_ref[...],
                          preferred_element_type=jnp.float32)


def _scale_body(xw_ref, deg_ref, xp_ref):
    dis = lax.rsqrt(deg_ref[...] + 1.0)
    xp_ref[...] = xw_ref[...] * dis


def _tc2_body(s1_ref, xp1_ref, deg_ref, b1_ref, w2_ref, x2p_ref):
    dis = lax.rsqrt(deg_ref[...] + 1.0)
    h = jnp.maximum(dis * (s1_ref[0] + s1_ref[1] + xp1_ref[...]) + b1_ref[...],
                    0.0)
    x2p_ref[...] = jnp.dot(h, w2_ref[...],
                           preferred_element_type=jnp.float32) * dis


def _tc3_body(s2_ref, xp2_ref, deg_ref, b2_ref, out_ref):
    dis = lax.rsqrt(deg_ref[...] + 1.0)
    out_ref[...] = jnp.maximum(
        dis * (s2_ref[0] + s2_ref[1] + xp2_ref[...]) + b2_ref[...], 0.0)


def _mm(xpad, W1):
    return pl.pallas_call(
        _mm_body,
        grid=(NP // _R,),
        in_specs=[
            pl.BlockSpec((_R, 128), lambda i: (i, 0)),
            pl.BlockSpec((128, 128), lambda i: (0, 0)),
        ],
        out_specs=pl.BlockSpec((_R, 128), lambda i: (i, 0)),
        out_shape=jax.ShapeDtypeStruct((NP, 128), jnp.float32),
    )(xpad, W1)


def _scale(xw, degc):
    return pl.pallas_call(
        _scale_body,
        grid=(NP // _R,),
        in_specs=[
            pl.BlockSpec((_R, 128), lambda i: (i, 0)),
            pl.BlockSpec((_R, 1), lambda i: (i, 0)),
        ],
        out_specs=pl.BlockSpec((_R, 128), lambda i: (i, 0)),
        out_shape=jax.ShapeDtypeStruct((NP, 128), jnp.float32),
    )(xw, degc)


def _tc2(s1, xp1, degc, b1, W2p):
    return pl.pallas_call(
        _tc2_body,
        grid=(NP // _R,),
        in_specs=[
            pl.BlockSpec((2, _R, 128), lambda i: (0, i, 0)),
            pl.BlockSpec((_R, 128), lambda i: (i, 0)),
            pl.BlockSpec((_R, 1), lambda i: (i, 0)),
            pl.BlockSpec((1, 128), lambda i: (0, 0)),
            pl.BlockSpec((128, 128), lambda i: (0, 0)),
        ],
        out_specs=pl.BlockSpec((_R, 128), lambda i: (i, 0)),
        out_shape=jax.ShapeDtypeStruct((NP, 128), jnp.float32),
    )(s1, xp1, degc, b1, W2p)


def _tc3(s2, xp2, degc, b2):
    return pl.pallas_call(
        _tc3_body,
        grid=(NP // _R,),
        in_specs=[
            pl.BlockSpec((2, _R, 128), lambda i: (0, i, 0)),
            pl.BlockSpec((_R, 128), lambda i: (i, 0)),
            pl.BlockSpec((_R, 1), lambda i: (i, 0)),
            pl.BlockSpec((1, 128), lambda i: (0, 0)),
        ],
        out_specs=pl.BlockSpec((_R, 128), lambda i: (i, 0)),
        out_shape=jax.ShapeDtypeStruct((NP, 128), jnp.float32),
    )(s2, xp2, degc, b2)


def kernel(x, edge_index, W1, b1, W2, b2):
    src = edge_index[0]
    dst = edge_index[1]
    pad = EPAD - E
    pad_row = jnp.broadcast_to(
        N + jnp.arange(NP - N, dtype=jnp.int32),
        (pad // (NP - N), NP - N)).reshape(pad)
    src_p = jnp.concatenate([src, pad_row]).reshape(NW, BPT, BLK)
    dst_p = jnp.concatenate([dst, pad_row]).reshape(NW, BPT, BLK)
    xpad = jnp.zeros((NP, 128), jnp.float32).at[:N].set(x)
    zeros128 = jnp.zeros((RS, 128), jnp.float32)

    deg2 = _deg_kernel(dst_p)
    degc = (deg2[0] + deg2[1]).reshape(NP, 16)[:, 0:1]

    W2p = jnp.zeros((128, 128), jnp.float32).at[:, :64].set(W2)
    b1r = b1.reshape(1, 128)
    b2r = jnp.zeros((1, 128), jnp.float32).at[0, :64].set(b2)

    xw1 = _mm(xpad, W1)
    xp1 = _scale(xw1, degc)
    s1 = _agg(xp1, src_p, dst_p, zeros128)
    xp2 = _tc2(s1, xp1, degc, b1r, W2p)
    s2 = _agg(xp2, src_p, dst_p, zeros128)
    out = _tc3(s2, xp2, degc, b2r)
    return out[:N, :64]

# --- scband reference (transcript-rebuilt; emitter-appended) ---
"""Pipeline reference for scband-csa-42279658062346 (READ-ONLY COPY).

The authoritative reference and input builder live on the scoring server;
editing this copy changes nothing except your own understanding.
"""

import jax, jax.numpy as jnp
import numpy as np

N = 10000
E = 320000
D_IN = 128
D_HID = 128   # 2 * out_channels
D_OUT = 64    # out_channels


def setup_inputs(seed: int = 0) -> dict:
    key = jax.random.key(seed)
    k1, k2, k3, k4, k5, k6 = jax.random.split(key, 6)
    x = jax.random.normal(k1, (N, D_IN), dtype=jnp.float32)
    edge_index = jax.random.randint(k2, (2, E), 0, N, dtype=jnp.int32)
    # GCNConv layer 0: in_channels -> 2*out_channels
    W1 = jax.random.normal(k3, (D_IN, D_HID), dtype=jnp.float32) * (1.0 / np.sqrt(D_IN))
    b1 = jnp.zeros((D_HID,), dtype=jnp.float32)
    # GCNConv layer 1: 2*out_channels -> out_channels
    W2 = jax.random.normal(k4, (D_HID, D_OUT), dtype=jnp.float32) * (1.0 / np.sqrt(D_HID))
    b2 = jnp.zeros((D_OUT,), dtype=jnp.float32)
    return {"x": x, "edge_index": edge_index, "W1": W1, "b1": b1, "W2": W2, "b2": b2}


def gcn_conv(x, edge_index, W, b):
    """Faithful GCNConv: add self-loops, symmetric normalization, scatter-add aggregation."""
    num_nodes = x.shape[0]
    xw = x @ W
    loop = jnp.arange(num_nodes, dtype=edge_index.dtype)
    src = jnp.concatenate([edge_index[0], loop])
    dst = jnp.concatenate([edge_index[1], loop])
    deg = jnp.zeros((num_nodes,), dtype=x.dtype).at[dst].add(1.0)
    deg_inv_sqrt = jnp.where(deg > 0, jax.lax.rsqrt(jnp.maximum(deg, 1e-12)), 0.0)
    norm = deg_inv_sqrt[src] * deg_inv_sqrt[dst]
    msgs = norm[:, None] * jnp.take(xw, src, axis=0)
    out = jnp.zeros((num_nodes, xw.shape[1]), dtype=x.dtype).at[dst].add(msgs)
    return out + b


def reference(x, edge_index, W1, b1, W2, b2):
    # CSA.forward == Encoder.forward with k=2 and activation applied after each conv
    h = jax.nn.relu(gcn_conv(x, edge_index, W1, b1))
    h = jax.nn.relu(gcn_conv(h, edge_index, W2, b2))
    return h

if __name__ == "__main__":
    import jax
    _d = setup_inputs()
    print(jax.jit(kernel)(*tuple(_d.values())))

</pallas_src>

<mosaic_0001>
#map = affine_map<(d0, d1) -> (0, 0, 0)>
module attributes {stable_mosaic.version = 14 : i64} {
  func.func @_deg_kernel(%arg0: i32, %arg1: i32, %arg2: memref<32x80x128xi32, #tpu.memory_space<hbm>>, %arg3: memref<2x1280x128xf32, #tpu.memory_space<hbm>>, %arg4: memref<80x128xi32, #tpu.memory_space<vmem>>, %arg5: memref<128x16xf32, #tpu.memory_space<vmem>>, %arg6: memref<640x16xf32, #tpu.memory_space<vmem>>, %arg7: memref<80x128xf32, #tpu.memory_space<vmem>>, %arg8: memref<10240x16xf32, #tpu.memory_space<vmem_shared>>) attributes {dimension_semantics = [#tpu.dimension_semantics<core_parallel>, #tpu.dimension_semantics<subcore_parallel>], iteration_bounds = array<i64: 2, 16>, scalar_prefetch = 0 : i64, scratch_operands = 5 : i64, tpu.core_type = #tpu.core_type<sc_vector_subcore>, window_params = [{transform_indices = #map}, {transform_indices = #map}]} {
    %mul3A = arith.constant 2 : i32
    %mul3A_0 = arith.muli %arg1, %mul3A : i32
    %add3A = arith.addi %mul3A_0, %arg0 : i32
    "tpu.region"() ({
      %run_scoped3A = tpu.sem_alloc : memref<!tpu.dma_semaphore, #tpu.memory_space<semaphore_mem>>
      %dma_start3A = arith.constant 0 : i32
      %dma_start3A_34 = arith.constant 0 : i32
      %dma_start3A_35 = tpu.memref_slice %arg2[%add3A, %dma_start3A, %dma_start3A_34] : memref<32x80x128xi32, #tpu.memory_space<hbm>> -> memref<1x80x128xi32, #tpu.memory_space<hbm>>
      %dma_start3A_36 = tpu.memref_squeeze %dma_start3A_35 : memref<1x80x128xi32, #tpu.memory_space<hbm>> -> memref<80x128xi32, #tpu.memory_space<hbm>>
      %dma_start3A_37 = arith.constant 0 : i32
      %dma_start3A_38 = arith.constant 0 : i32
      %dma_start3A_39 = tpu.memref_slice %arg2[%add3A, %dma_start3A_37, %dma_start3A_38] : memref<32x80x128xi32, #tpu.memory_space<hbm>> -> memref<1x80x128xi32, #tpu.memory_space<hbm>>
      %dma_start3A_40 = tpu.memref_squeeze %dma_start3A_39 : memref<1x80x128xi32, #tpu.memory_space<hbm>> -> memref<80x128xi32, #tpu.memory_space<hbm>>
      tpu.enqueue_dma source(%dma_start3A_40 : memref<80x128xi32, #tpu.memory_space<hbm>>) target(%arg4 : memref<80x128xi32, #tpu.memory_space<vmem>>) target_semaphore(%run_scoped3A : memref<!tpu.dma_semaphore, #tpu.memory_space<semaphore_mem>>)
      %dma_wait3A = arith.constant 0 : i32
      %dma_wait3A_41 = arith.constant 0 : i32
      %dma_wait3A_42 = tpu.memref_slice %arg2[%add3A, %dma_wait3A, %dma_wait3A_41] : memref<32x80x128xi32, #tpu.memory_space<hbm>> -> memref<1x80x128xi32, #tpu.memory_space<hbm>>
      %dma_wait3A_43 = tpu.memref_squeeze %dma_wait3A_42 : memref<1x80x128xi32, #tpu.memory_space<hbm>> -> memref<80x128xi32, #tpu.memory_space<hbm>>
      %dma_wait3A_44 = arith.constant 0 : i32
      %dma_wait3A_45 = arith.constant 0 : i32
      %dma_wait3A_46 = tpu.memref_slice %arg2[%add3A, %dma_wait3A_44, %dma_wait3A_45] : memref<32x80x128xi32, #tpu.memory_space<hbm>> -> memref<1x80x128xi32, #tpu.memory_space<hbm>>
      %dma_wait3A_47 = tpu.memref_squeeze %dma_wait3A_46 : memref<1x80x128xi32, #tpu.memory_space<hbm>> -> memref<80x128xi32, #tpu.memory_space<hbm>>
      tpu.wait_dma2 semaphore(%run_scoped3A : memref<!tpu.dma_semaphore, #tpu.memory_space<semaphore_mem>>) src(%dma_wait3A_47 : memref<80x128xi32, #tpu.memory_space<hbm>>) dst(%arg4 : memref<80x128xi32, #tpu.memory_space<vmem>>)
      tpu.yield
    }) : () -> ()
    %broadcast_in_dim3A = arith.constant 1.000000e+00 : f32
    %broadcast_in_dim3A_1 = vector.broadcast %broadcast_in_dim3A : f32 to vector<16xf32>
    %broadcast_in_dim3A_2 = arith.constant 0.000000e+00 : f32
    %broadcast_in_dim3A_3 = vector.broadcast %broadcast_in_dim3A_2 : f32 to vector<16xf32>
    %scan3A = arith.constant 0 : i32
    %scan3A_4 = arith.constant 0 : i32
    %scan3A_5 = arith.constant 128 : i32
    %scan3A_6 = arith.addi %scan3A_4, %scan3A_5 : i32
    %scan3A_7 = arith.constant 1 : i32
    scf.for %scan3A_34 = %scan3A_4 to %scan3A_6 step %scan3A_7  : i32 {
      %swap3A = arith.index_cast %scan3A_34 : i32 to index
      %swap3A_35 = arith.constant 0 : index
      %swap3A_36 = tpu.vector_load %arg5[%swap3A, %swap3A_35] {strides = array<i32>} : memref<128x16xf32, #tpu.memory_space<vmem>>, vector<1x16xf32>,
      %swap3A_37 = vector.shape_cast %swap3A_36 : vector<1x16xf32> to vector<16xf32>
      %swap3A_38 = vector.shape_cast %broadcast_in_dim3A_1 : vector<16xf32> to vector<1x16xf32>
      tpu.vector_store %arg5[%swap3A, %swap3A_35], %swap3A_38 {strides = array<i32>} : memref<128x16xf32, #tpu.memory_space<vmem>>, vector<1x16xf32>,
    }
    %scan3A_8 = arith.constant 128 : i32
    %scan3A_9 = arith.constant 0 : i32
    %scan3A_10 = arith.constant 0 : i32
    %scan3A_11 = arith.constant 640 : i32
    %scan3A_12 = arith.addi %scan3A_10, %scan3A_11 : i32
    %scan3A_13 = arith.constant 1 : i32
    scf.for %scan3A_34 = %scan3A_10 to %scan3A_12 step %scan3A_13  : i32 {
      %swap3A = arith.index_cast %scan3A_34 : i32 to index
      %swap3A_35 = arith.constant 0 : index
      %swap3A_36 = tpu.vector_load %arg6[%swap3A, %swap3A_35] {strides = array<i32>} : memref<640x16xf32, #tpu.memory_space<vmem>>, vector<1x16xf32>,
      %swap3A_37 = vector.shape_cast %swap3A_36 : vector<1x16xf32> to vector<16xf32>
      %swap3A_38 = vector.shape_cast %broadcast_in_dim3A_3 : vector<16xf32> to vector<1x16xf32>
      tpu.vector_store %arg6[%swap3A, %swap3A_35], %swap3A_38 {strides = array<i32>} : memref<640x16xf32, #tpu.memory_space<vmem>>, vector<1x16xf32>,
    }
    %scan3A_14 = arith.constant 640 : i32
    %mul3A_15 = arith.constant 640 : i32
    %mul3A_16 = arith.muli %arg1, %mul3A_15 : i32
    "tpu.region"() ({
      %run_scoped3A = tpu.sem_alloc : memref<!tpu.dma_semaphore, #tpu.memory_space<semaphore_mem>>
      %dma_start3A = arith.constant 0 : i32
      %dma_start3A_34 = tpu.memref_slice %arg8[%mul3A_16, %dma_start3A] : memref<10240x16xf32, #tpu.memory_space<vmem_shared>> -> memref<640x16xf32, #tpu.memory_space<vmem_shared>>
      %dma_start3A_35 = arith.constant 0 : i32
      %dma_start3A_36 = tpu.memref_slice %arg8[%mul3A_16, %dma_start3A_35] : memref<10240x16xf32, #tpu.memory_space<vmem_shared>> -> memref<640x16xf32, #tpu.memory_space<vmem_shared>>
      tpu.enqueue_dma source(%arg6 : memref<640x16xf32, #tpu.memory_space<vmem>>) target(%dma_start3A_36 : memref<640x16xf32, #tpu.memory_space<vmem_shared>>) target_semaphore(%run_scoped3A : memref<!tpu.dma_semaphore, #tpu.memory_space<semaphore_mem>>)
      %dma_wait3A = arith.constant 0 : i32
      %dma_wait3A_37 = tpu.memref_slice %arg8[%mul3A_16, %dma_wait3A] : memref<10240x16xf32, #tpu.memory_space<vmem_shared>> -> memref<640x16xf32, #tpu.memory_space<vmem_shared>>
      %dma_wait3A_38 = arith.constant 0 : i32
      %dma_wait3A_39 = tpu.memref_slice %arg8[%mul3A_16, %dma_wait3A_38] : memref<10240x16xf32, #tpu.memory_space<vmem_shared>> -> memref<640x16xf32, #tpu.memory_space<vmem_shared>>
      tpu.wait_dma2 semaphore(%run_scoped3A : memref<!tpu.dma_semaphore, #tpu.memory_space<semaphore_mem>>) src(%arg6 : memref<640x16xf32, #tpu.memory_space<vmem>>) dst(%dma_wait3A_39 : memref<640x16xf32, #tpu.memory_space<vmem_shared>>)
      tpu.yield
    }) : () -> ()
    %barrier3A = arith.constant 0 : index
    tpu.barrier barrier_id(%barrier3A)
    %scan3A_17 = arith.constant 0 : i32
    %scan3A_18 = arith.constant 0 : i32
    %scan3A_19 = arith.constant 80 : i32
    %scan3A_20 = arith.addi %scan3A_18, %scan3A_19 : i32
    %scan3A_21 = arith.constant 1 : i32
    scf.for %scan3A_34 = %scan3A_18 to %scan3A_20 step %scan3A_21  : i32 {
      "tpu.region"() ({
        %run_scoped3A = tpu.sem_alloc : memref<!tpu.dma_semaphore, #tpu.memory_space<semaphore_mem>>
        %dma_start3A = arith.constant 0 : i32
        %dma_start3A_35 = tpu.memref_slice %arg4[%scan3A_34, %dma_start3A] : memref<80x128xi32, #tpu.memory_space<vmem>> -> memref<1x128xi32, #tpu.memory_space<vmem>>
        %dma_start3A_36 = tpu.memref_squeeze %dma_start3A_35 : memref<1x128xi32, #tpu.memory_space<vmem>> -> memref<128xi32, #tpu.memory_space<vmem>>
        %dma_start3A_37 = arith.constant 0 : i32
        %dma_start3A_38 = arith.constant 0 : i32
        %dma_start3A_39 = tpu.memref_slice %arg8[%dma_start3A_37, %dma_start3A_38] : memref<10240x16xf32, #tpu.memory_space<vmem_shared>> -> memref<10240x16xf32, #tpu.memory_space<vmem_shared>>
        tpu.enqueue_indirect_dma source(%arg5 : memref<128x16xf32, #tpu.memory_space<vmem>>) target(%dma_start3A_39 : memref<10240x16xf32, #tpu.memory_space<vmem_shared>>) offsets(%dma_start3A_36 : memref<128xi32, #tpu.memory_space<vmem>>) semaphore(%run_scoped3A : memref<!tpu.dma_semaphore, #tpu.memory_space<semaphore_mem>>) {add = true}
        %dma_wait3A = arith.constant 0 : i32
        %dma_wait3A_40 = tpu.memref_slice %arg4[%scan3A_34, %dma_wait3A] : memref<80x128xi32, #tpu.memory_space<vmem>> -> memref<1x128xi32, #tpu.memory_space<vmem>>
        %dma_wait3A_41 = tpu.memref_squeeze %dma_wait3A_40 : memref<1x128xi32, #tpu.memory_space<vmem>> -> memref<128xi32, #tpu.memory_space<vmem>>
        %dma_wait3A_42 = arith.constant 0 : i32
        %dma_wait3A_43 = arith.constant 0 : i32
        %dma_wait3A_44 = tpu.memref_slice %arg8[%dma_wait3A_42, %dma_wait3A_43] : memref<10240x16xf32, #tpu.memory_space<vmem_shared>> -> memref<10240x16xf32, #tpu.memory_space<vmem_shared>>
        tpu.wait_indirect_dma semaphore(%run_scoped3A : memref<!tpu.dma_semaphore, #tpu.memory_space<semaphore_mem>>) src(%arg5 : memref<128x16xf32, #tpu.memory_space<vmem>>) dst(%dma_wait3A_44 : memref<10240x16xf32, #tpu.memory_space<vmem_shared>>)
        tpu.yield
      }) : () -> ()
    }
    %scan3A_22 = arith.constant 80 : i32
    %barrier3A_23 = arith.constant 0 : index
    tpu.barrier barrier_id(%barrier3A_23)
    %mul3A_24 = arith.constant 640 : i32
    %mul3A_25 = arith.muli %arg1, %mul3A_24 : i32
    "tpu.region"() ({
      %run_scoped3A = tpu.sem_alloc : memref<!tpu.dma_semaphore, #tpu.memory_space<semaphore_mem>>
      %dma_start3A = arith.constant 0 : i32
      %dma_start3A_34 = tpu.memref_slice %arg8[%mul3A_25, %dma_start3A] : memref<10240x16xf32, #tpu.memory_space<vmem_shared>> -> memref<640x16xf32, #tpu.memory_space<vmem_shared>>
      %dma_start3A_35 = arith.constant 0 : i32
      %dma_start3A_36 = tpu.memref_slice %arg8[%mul3A_25, %dma_start3A_35] : memref<10240x16xf32, #tpu.memory_space<vmem_shared>> -> memref<640x16xf32, #tpu.memory_space<vmem_shared>>
      tpu.enqueue_dma source(%dma_start3A_36 : memref<640x16xf32, #tpu.memory_space<vmem_shared>>) target(%arg6 : memref<640x16xf32, #tpu.memory_space<vmem>>) target_semaphore(%run_scoped3A : memref<!tpu.dma_semaphore, #tpu.memory_space<semaphore_mem>>)
      %dma_wait3A = arith.constant 0 : i32
      %dma_wait3A_37 = tpu.memref_slice %arg8[%mul3A_25, %dma_wait3A] : memref<10240x16xf32, #tpu.memory_space<vmem_shared>> -> memref<640x16xf32, #tpu.memory_space<vmem_shared>>
      %dma_wait3A_38 = arith.constant 0 : i32
      %dma_wait3A_39 = tpu.memref_slice %arg8[%mul3A_25, %dma_wait3A_38] : memref<10240x16xf32, #tpu.memory_space<vmem_shared>> -> memref<640x16xf32, #tpu.memory_space<vmem_shared>>
      tpu.wait_dma2 semaphore(%run_scoped3A : memref<!tpu.dma_semaphore, #tpu.memory_space<semaphore_mem>>) src(%dma_wait3A_39 : memref<640x16xf32, #tpu.memory_space<vmem_shared>>) dst(%arg6 : memref<640x16xf32, #tpu.memory_space<vmem>>)
      tpu.yield
    }) : () -> ()
    %scan3A_26 = arith.constant 0 : i32
    %scan3A_27 = arith.constant 0 : i32
    %scan3A_28 = arith.constant 80 : i32
    %scan3A_29 = arith.addi %scan3A_27, %scan3A_28 : i32
    %scan3A_30 = arith.constant 1 : i32
    scf.for %scan3A_34 = %scan3A_27 to %scan3A_29 step %scan3A_30  : i32 {
      %mul3A_35 = arith.constant 8 : i32
      %mul3A_36 = arith.muli %scan3A_34, %mul3A_35 : i32
      %add3A_37 = arith.constant 0 : i32
      %add3A_38 = arith.addi %mul3A_36, %add3A_37 : i32
      %get3A = arith.index_cast %add3A_38 : i32 to index
      %get3A_39 = arith.constant 0 : index
      %get3A_40 = tpu.vector_load %arg6[%get3A, %get3A_39] {strides = array<i32>} : memref<640x16xf32, #tpu.memory_space<vmem>>, vector<1x16xf32>,
      %get3A_41 = vector.shape_cast %get3A_40 : vector<1x16xf32> to vector<16xf32>
      %swap3A = arith.index_cast %scan3A_34 : i32 to index
      %swap3A_42 = arith.constant 0 : index
      %swap3A_43 = tpu.vector_load %arg7[%swap3A, %swap3A_42] {strides = array<i32>} : memref<80x128xf32, #tpu.memory_space<vmem>>, vector<1x16xf32>,
      %swap3A_44 = vector.shape_cast %swap3A_43 : vector<1x16xf32> to vector<16xf32>
      %swap3A_45 = vector.shape_cast %get3A_41 : vector<16xf32> to vector<1x16xf32>
      tpu.vector_store %arg7[%swap3A, %swap3A_42], %swap3A_45 {strides = array<i32>} : memref<80x128xf32, #tpu.memory_space<vmem>>, vector<1x16xf32>,
      %mul3A_46 = arith.constant 8 : i32
      %mul3A_47 = arith.muli %scan3A_34, %mul3A_46 : i32
      %add3A_48 = arith.constant 1 : i32
      %add3A_49 = arith.addi %mul3A_47, %add3A_48 : i32
      %get3A_50 = arith.index_cast %add3A_49 : i32 to index
      %get3A_51 = arith.constant 0 : index
      %get3A_52 = tpu.vector_load %arg6[%get3A_50, %get3A_51] {strides = array<i32>} : memref<640x16xf32, #tpu.memory_space<vmem>>, vector<1x16xf32>,
      %get3A_53 = vector.shape_cast %get3A_52 : vector<1x16xf32> to vector<16xf32>
      %swap3A_54 = arith.index_cast %scan3A_34 : i32 to index
      %swap3A_55 = arith.constant 16 : index
      %swap3A_56 = tpu.vector_load %arg7[%swap3A_54, %swap3A_55] {strides = array<i32>} : memref<80x128xf32, #tpu.memory_space<vmem>>, vector<1x16xf32>,
      %swap3A_57 = vector.shape_cast %swap3A_56 : vector<1x16xf32> to vector<16xf32>
      %swap3A_58 = vector.shape_cast %get3A_53 : vector<16xf32> to vector<1x16xf32>
      tpu.vector_store %arg7[%swap3A_54, %swap3A_55], %swap3A_58 {strides = array<i32>} : memref<80x128xf32, #tpu.memory_space<vmem>>, vector<1x16xf32>,
      %mul3A_59 = arith.constant 8 : i32
      %mul3A_60 = arith.muli %scan3A_34, %mul3A_59 : i32
      %add3A_61 = arith.constant 2 : i32
      %add3A_62 = arith.addi %mul3A_60, %add3A_61 : i32
      %get3A_63 = arith.index_cast %add3A_62 : i32 to index
      %get3A_64 = arith.constant 0 : index
      %get3A_65 = tpu.vector_load %arg6[%get3A_63, %get3A_64] {strides = array<i32>} : memref<640x16xf32, #tpu.memory_space<vmem>>, vector<1x16xf32>,
      %get3A_66 = vector.shape_cast %get3A_65 : vector<1x16xf32> to vector<16xf32>
      %swap3A_67 = arith.index_cast %scan3A_34 : i32 to index
      %swap3A_68 = arith.constant 32 : index
      %swap3A_69 = tpu.vector_load %arg7[%swap3A_67, %swap3A_68] {strides = array<i32>} : memref<80x128xf32, #tpu.memory_space<vmem>>, vector<1x16xf32>,
      %swap3A_70 = vector.shape_cast %swap3A_69 : vector<1x16xf32> to vector<16xf32>
      %swap3A_71 = vector.shape_cast %get3A_66 : vector<16xf32> to vector<1x16xf32>
      tpu.vector_store %arg7[%swap3A_67, %swap3A_68], %swap3A_71 {strides = array<i32>} : memref<80x128xf32, #tpu.memory_space<vmem>>, vector<1x16xf32>,
      %mul3A_72 = arith.constant 8 : i32
      %mul3A_73 = arith.muli %scan3A_34, %mul3A_72 : i32
      %add3A_74 = arith.constant 3 : i32
      %add3A_75 = arith.addi %mul3A_73, %add3A_74 : i32
      %get3A_76 = arith.index_cast %add3A_75 : i32 to index
      %get3A_77 = arith.constant 0 : index
      %get3A_78 = tpu.vector_load %arg6[%get3A_76, %get3A_77] {strides = array<i32>} : memref<640x16xf32, #tpu.memory_space<vmem>>, vector<1x16xf32>,
      %get3A_79 = vector.shape_cast %get3A_78 : vector<1x16xf32> to vector<16xf32>
      %swap3A_80 = arith.index_cast %scan3A_34 : i32 to index
      %swap3A_81 = arith.constant 48 : index
      %swap3A_82 = tpu.vector_load %arg7[%swap3A_80, %swap3A_81] {strides = array<i32>} : memref<80x128xf32, #tpu.memory_space<vmem>>, vector<1x16xf32>,
      %swap3A_83 = vector.shape_cast %swap3A_82 : vector<1x16xf32> to vector<16xf32>
      %swap3A_84 = vector.shape_cast %get3A_79 : vector<16xf32> to vector<1x16xf32>
      tpu.vector_store %arg7[%swap3A_80, %swap3A_81], %swap3A_84 {strides = array<i32>} : memref<80x128xf32, #tpu.memory_space<vmem>>, vector<1x16xf32>,
      %mul3A_85 = arith.constant 8 : i32
      %mul3A_86 = arith.muli %scan3A_34, %mul3A_85 : i32
      %add3A_87 = arith.constant 4 : i32
      %add3A_88 = arith.addi %mul3A_86, %add3A_87 : i32
      %get3A_89 = arith.index_cast %add3A_88 : i32 to index
      %get3A_90 = arith.constant 0 : index
      %get3A_91 = tpu.vector_load %arg6[%get3A_89, %get3A_90] {strides = array<i32>} : memref<640x16xf32, #tpu.memory_space<vmem>>, vector<1x16xf32>,
      %get3A_92 = vector.shape_cast %get3A_91 : vector<1x16xf32> to vector<16xf32>
      %swap3A_93 = arith.index_cast %scan3A_34 : i32 to index
      %swap3A_94 = arith.constant 64 : index
      %swap3A_95 = tpu.vector_load %arg7[%swap3A_93, %swap3A_94] {strides = array<i32>} : memref<80x128xf32, #tpu.memory_space<vmem>>, vector<1x16xf32>,
      %swap3A_96 = vector.shape_cast %swap3A_95 : vector<1x16xf32> to vector<16xf32>
      %swap3A_97 = vector.shape_cast %get3A_92 : vector<16xf32> to vector<1x16xf32>
      tpu.vector_store %arg7[%swap3A_93, %swap3A_94], %swap3A_97 {strides = array<i32>} : memref<80x128xf32, #tpu.memory_space<vmem>>, vector<1x16xf32>,
      %mul3A_98 = arith.constant 8 : i32
      %mul3A_99 = arith.muli %scan3A_34, %mul3A_98 : i32
      %add3A_100 = arith.constant 5 : i32
      %add3A_101 = arith.addi %mul3A_99, %add3A_100 : i32
      %get3A_102 = arith.index_cast %add3A_101 : i32 to index
      %get3A_103 = arith.constant 0 : index
      %get3A_104 = tpu.vector_load %arg6[%get3A_102, %get3A_103] {strides = array<i32>} : memref<640x16xf32, #tpu.memory_space<vmem>>, vector<1x16xf32>,
      %get3A_105 = vector.shape_cast %get3A_104 : vector<1x16xf32> to vector<16xf32>
      %swap3A_106 = arith.index_cast %scan3A_34 : i32 to index
      %swap3A_107 = arith.constant 80 : index
      %swap3A_108 = tpu.vector_load %arg7[%swap3A_106, %swap3A_107] {strides = array<i32>} : memref<80x128xf32, #tpu.memory_space<vmem>>, vector<1x16xf32>,
      %swap3A_109 = vector.shape_cast %swap3A_108 : vector<1x16xf32> to vector<16xf32>
      %swap3A_110 = vector.shape_cast %get3A_105 : vector<16xf32> to vector<1x16xf32>
      tpu.vector_store %arg7[%swap3A_106, %swap3A_107], %swap3A_110 {strides = array<i32>} : memref<80x128xf32, #tpu.memory_space<vmem>>, vector<1x16xf32>,
      %mul3A_111 = arith.constant 8 : i32
      %mul3A_112 = arith.muli %scan3A_34, %mul3A_111 : i32
      %add3A_113 = arith.constant 6 : i32
      %add3A_114 = arith.addi %mul3A_112, %add3A_113 : i32
      %get3A_115 = arith.index_cast %add3A_114 : i32 to index
      %get3A_116 = arith.constant 0 : index
      %get3A_117 = tpu.vector_load %arg6[%get3A_115, %get3A_116] {strides = array<i32>} : memref<640x16xf32, #tpu.memory_space<vmem>>, vector<1x16xf32>,
      %get3A_118 = vector.shape_cast %get3A_117 : vector<1x16xf32> to vector<16xf32>
      %swap3A_119 = arith.index_cast %scan3A_34 : i32 to index
      %swap3A_120 = arith.constant 96 : index
      %swap3A_121 = tpu.vector_load %arg7[%swap3A_119, %swap3A_120] {strides = array<i32>} : memref<80x128xf32, #tpu.memory_space<vmem>>, vector<1x16xf32>,
      %swap3A_122 = vector.shape_cast %swap3A_121 : vector<1x16xf32> to vector<16xf32>
      %swap3A_123 = vector.shape_cast %get3A_118 : vector<16xf32> to vector<1x16xf32>
      tpu.vector_store %arg7[%swap3A_119, %swap3A_120], %swap3A_123 {strides = array<i32>} : memref<80x128xf32, #tpu.memory_space<vmem>>, vector<1x16xf32>,
      %mul3A_124 = arith.constant 8 : i32
      %mul3A_125 = arith.muli %scan3A_34, %mul3A_124 : i32
      %add3A_126 = arith.constant 7 : i32
      %add3A_127 = arith.addi %mul3A_125, %add3A_126 : i32
      %get3A_128 = arith.index_cast %add3A_127 : i32 to index
      %get3A_129 = arith.constant 0 : index
      %get3A_130 = tpu.vector_load %arg6[%get3A_128, %get3A_129] {strides = array<i32>} : memref<640x16xf32, #tpu.memory_space<vmem>>, vector<1x16xf32>,
      %get3A_131 = vector.shape_cast %get3A_130 : vector<1x16xf32> to vector<16xf32>
      %swap3A_132 = arith.index_cast %scan3A_34 : i32 to index
      %swap3A_133 = arith.constant 112 : index
      %swap3A_134 = tpu.vector_load %arg7[%swap3A_132, %swap3A_133] {strides = array<i32>} : memref<80x128xf32, #tpu.memory_space<vmem>>, vector<1x16xf32>,
      %swap3A_135 = vector.shape_cast %swap3A_134 : vector<1x16xf32> to vector<16xf32>
      %swap3A_136 = vector.shape_cast %get3A_131 : vector<16xf32> to vector<1x16xf32>
      tpu.vector_store %arg7[%swap3A_132, %swap3A_133], %swap3A_136 {strides = array<i32>} : memref<80x128xf32, #tpu.memory_space<vmem>>, vector<1x16xf32>,
    }
    %scan3A_31 = arith.constant 80 : i32
    %mul3A_32 = arith.constant 80 : i32
    %mul3A_33 = arith.muli %arg1, %mul3A_32 : i32
    "tpu.region"() ({
      %run_scoped3A = tpu.sem_alloc : memref<!tpu.dma_semaphore, #tpu.memory_space<semaphore_mem>>
      %dma_start3A = arith.constant 0 : i32
      %dma_start3A_34 = tpu.memref_slice %arg3[%arg0, %mul3A_33, %dma_start3A] : memref<2x1280x128xf32, #tpu.memory_space<hbm>> -> memref<1x80x128xf32, #tpu.memory_space<hbm>>
      %dma_start3A_35 = tpu.memref_squeeze %dma_start3A_34 : memref<1x80x128xf32, #tpu.memory_space<hbm>> -> memref<80x128xf32, #tpu.memory_space<hbm>>
      %dma_start3A_36 = arith.constant 0 : i32
      %dma_start3A_37 = tpu.memref_slice %arg3[%arg0, %mul3A_33, %dma_start3A_36] : memref<2x1280x128xf32, #tpu.memory_space<hbm>> -> memref<1x80x128xf32, #tpu.memory_space<hbm>>
      %dma_start3A_38 = tpu.memref_squeeze %dma_start3A_37 : memref<1x80x128xf32, #tpu.memory_space<hbm>> -> memref<80x128xf32, #tpu.memory_space<hbm>>
      tpu.enqueue_dma source(%arg7 : memref<80x128xf32, #tpu.memory_space<vmem>>) target(%dma_start3A_38 : memref<80x128xf32, #tpu.memory_space<hbm>>) target_semaphore(%run_scoped3A : memref<!tpu.dma_semaphore, #tpu.memory_space<semaphore_mem>>)
      %dma_wait3A = arith.constant 0 : i32
      %dma_wait3A_39 = tpu.memref_slice %arg3[%arg0, %mul3A_33, %dma_wait3A] : memref<2x1280x128xf32, #tpu.memory_space<hbm>> -> memref<1x80x128xf32, #tpu.memory_space<hbm>>
      %dma_wait3A_40 = tpu.memref_squeeze %dma_wait3A_39 : memref<1x80x128xf32, #tpu.memory_space<hbm>> -> memref<80x128xf32, #tpu.memory_space<hbm>>
      %dma_wait3A_41 = arith.constant 0 : i32
      %dma_wait3A_42 = tpu.memref_slice %arg3[%arg0, %mul3A_33, %dma_wait3A_41] : memref<2x1280x128xf32, #tpu.memory_space<hbm>> -> memref<1x80x128xf32, #tpu.memory_space<hbm>>
      %dma_wait3A_43 = tpu.memref_squeeze %dma_wait3A_42 : memref<1x80x128xf32, #tpu.memory_space<hbm>> -> memref<80x128xf32, #tpu.memory_space<hbm>>
      tpu.wait_dma2 semaphore(%run_scoped3A : memref<!tpu.dma_semaphore, #tpu.memory_space<semaphore_mem>>) src(%arg7 : memref<80x128xf32, #tpu.memory_space<vmem>>) dst(%dma_wait3A_43 : memref<80x128xf32, #tpu.memory_space<hbm>>)
      tpu.yield
    }) : () -> ()
    return
  }
}

#map = affine_map<(d0, d1) -> (0, 0)>
#map1 = affine_map<(d0, d1) -> (0, 0, 0)>
module attributes {stable_mosaic.version = 14 : i64} {
  func.func @_agg(%arg0: i32, %arg1: i32, %arg2: memref<10240x128xf32, #tpu.memory_space<hbm>>, %arg3: memref<32x80x128xi32, #tpu.memory_space<hbm>>, %arg4: memref<32x80x128xi32, #tpu.memory_space<hbm>>, %arg5: memref<640x128xf32, #tpu.memory_space<hbm>>, %arg6: memref<2x10240x128xf32, #tpu.memory_space<hbm>>, %arg7: memref<40x128xi32, #tpu.memory_space<vmem>>, %arg8: memref<40x128xi32, #tpu.memory_space<vmem>>, %arg9: memref<128x128xf32, #tpu.memory_space<vmem>>, %arg10: memref<128x128xf32, #tpu.memory_space<vmem>>, %arg11: memref<10240x128xf32, #tpu.memory_space<vmem_shared>>, %arg12: memref<!tpu.dma_semaphore, #tpu.memory_space<semaphore_mem>>, %arg13: memref<!tpu.dma_semaphore, #tpu.memory_space<semaphore_mem>>) attributes {dimension_semantics = [#tpu.dimension_semantics<core_parallel>, #tpu.dimension_semantics<subcore_parallel>], iteration_bounds = array<i64: 2, 16>, scalar_prefetch = 0 : i64, scratch_operands = 7 : i64, tpu.core_type = #tpu.core_type<sc_vector_subcore>, window_params = [{transform_indices = #map}, {transform_indices = #map1}, {transform_indices = #map1}, {transform_indices = #map}, {transform_indices = #map1}]} {
    %mul3A = arith.constant 2 : i32
    %mul3A_0 = arith.muli %arg1, %mul3A : i32
    %add3A = arith.addi %mul3A_0, %arg0 : i32
    %mul3A_1 = arith.constant 640 : i32
    %mul3A_2 = arith.muli %arg1, %mul3A_1 : i32
    "tpu.region"() ({
      %run_scoped3A = tpu.sem_alloc : memref<!tpu.dma_semaphore, #tpu.memory_space<semaphore_mem>>
      %dma_start3A = arith.constant 0 : i32
      %dma_start3A_13 = tpu.memref_slice %arg11[%mul3A_2, %dma_start3A] : memref<10240x128xf32, #tpu.memory_space<vmem_shared>> -> memref<640x128xf32, #tpu.memory_space<vmem_shared>>
      tpu.enqueue_dma source(%arg5 : memref<640x128xf32, #tpu.memory_space<hbm>>) target(%dma_start3A_13 : memref<640x128xf32, #tpu.memory_space<vmem_shared>>) target_semaphore(%run_scoped3A : memref<!tpu.dma_semaphore, #tpu.memory_space<semaphore_mem>>)
      %dma_wait3A = arith.constant 0 : i32
      %dma_wait3A_14 = tpu.memref_slice %arg11[%mul3A_2, %dma_wait3A] : memref<10240x128xf32, #tpu.memory_space<vmem_shared>> -> memref<640x128xf32, #tpu.memory_space<vmem_shared>>
      tpu.wait_dma2 semaphore(%run_scoped3A : memref<!tpu.dma_semaphore, #tpu.memory_space<semaphore_mem>>) src(%arg5 : memref<640x128xf32, #tpu.memory_space<hbm>>) dst(%dma_wait3A_14 : memref<640x128xf32, #tpu.memory_space<vmem_shared>>)
      tpu.yield
    }) : () -> ()
    %barrier3A = arith.constant 0 : index
    tpu.barrier barrier_id(%barrier3A)
    %scan3A = arith.constant 0 : i32
    %scan3A_3 = arith.constant 0 : i32
    %scan3A_4 = arith.constant 2 : i32
    %scan3A_5 = arith.addi %scan3A_3, %scan3A_4 : i32
    %scan3A_6 = arith.constant 1 : i32
    scf.for %scan3A_13 = %scan3A_3 to %scan3A_5 step %scan3A_6  : i32 {
      %mul3A_14 = arith.constant 40 : i32
      %mul3A_15 = arith.muli %scan3A_13, %mul3A_14 : i32
      "tpu.region"() ({
        %run_scoped3A = tpu.sem_alloc : memref<!tpu.dma_semaphore, #tpu.memory_space<semaphore_mem>>
        %dma_start3A_30 = arith.constant 0 : i32
        %dma_start3A_31 = tpu.memref_slice %arg3[%add3A, %mul3A_15, %dma_start3A_30] : memref<32x80x128xi32, #tpu.memory_space<hbm>> -> memref<1x40x128xi32, #tpu.memory_space<hbm>>
        %dma_start3A_32 = tpu.memref_squeeze %dma_start3A_31 : memref<1x40x128xi32, #tpu.memory_space<hbm>> -> memref<40x128xi32, #tpu.memory_space<hbm>>
        %dma_start3A_33 = arith.constant 0 : i32
        %dma_start3A_34 = tpu.memref_slice %arg3[%add3A, %mul3A_15, %dma_start3A_33] : memref<32x80x128xi32, #tpu.memory_space<hbm>> -> memref<1x40x128xi32, #tpu.memory_space<hbm>>
        %dma_start3A_35 = tpu.memref_squeeze %dma_start3A_34 : memref<1x40x128xi32, #tpu.memory_space<hbm>> -> memref<40x128xi32, #tpu.memory_space<hbm>>
        tpu.enqueue_dma source(%dma_start3A_35 : memref<40x128xi32, #tpu.memory_space<hbm>>) target(%arg7 : memref<40x128xi32, #tpu.memory_space<vmem>>) target_semaphore(%run_scoped3A : memref<!tpu.dma_semaphore, #tpu.memory_space<semaphore_mem>>)
        %dma_wait3A = arith.constant 0 : i32
        %dma_wait3A_36 = tpu.memref_slice %arg3[%add3A, %mul3A_15, %dma_wait3A] : memref<32x80x128xi32, #tpu.memory_space<hbm>> -> memref<1x40x128xi32, #tpu.memory_space<hbm>>
        %dma_wait3A_37 = tpu.memref_squeeze %dma_wait3A_36 : memref<1x40x128xi32, #tpu.memory_space<hbm>> -> memref<40x128xi32, #tpu.memory_space<hbm>>
        %dma_wait3A_38 = arith.constant 0 : i32
        %dma_wait3A_39 = tpu.memref_slice %arg3[%add3A, %mul3A_15, %dma_wait3A_38] : memref<32x80x128xi32, #tpu.memory_space<hbm>> -> memref<1x40x128xi32, #tpu.memory_space<hbm>>
        %dma_wait3A_40 = tpu.memref_squeeze %dma_wait3A_39 : memref<1x40x128xi32, #tpu.memory_space<hbm>> -> memref<40x128xi32, #tpu.memory_space<hbm>>
        tpu.wait_dma2 semaphore(%run_scoped3A : memref<!tpu.dma_semaphore, #tpu.memory_space<semaphore_mem>>) src(%dma_wait3A_40 : memref<40x128xi32, #tpu.memory_space<hbm>>) dst(%arg7 : memref<40x128xi32, #tpu.memory_space<vmem>>)
        tpu.yield
      }) : () -> ()
      %mul3A_16 = arith.constant 40 : i32
      %mul3A_17 = arith.muli %scan3A_13, %mul3A_16 : i32
      "tpu.region"() ({
        %run_scoped3A = tpu.sem_alloc : memref<!tpu.dma_semaphore, #tpu.memory_space<semaphore_mem>>
        %dma_start3A_30 = arith.constant 0 : i32
        %dma_start3A_31 = tpu.memref_slice %arg4[%add3A, %mul3A_17, %dma_start3A_30] : memref<32x80x128xi32, #tpu.memory_space<hbm>> -> memref<1x40x128xi32, #tpu.memory_space<hbm>>
        %dma_start3A_32 = tpu.memref_squeeze %dma_start3A_31 : memref<1x40x128xi32, #tpu.memory_space<hbm>> -> memref<40x128xi32, #tpu.memory_space<hbm>>
        %dma_start3A_33 = arith.constant 0 : i32
        %dma_start3A_34 = tpu.memref_slice %arg4[%add3A, %mul3A_17, %dma_start3A_33] : memref<32x80x128xi32, #tpu.memory_space<hbm>> -> memref<1x40x128xi32, #tpu.memory_space<hbm>>
        %dma_start3A_35 = tpu.memref_squeeze %dma_start3A_34 : memref<1x40x128xi32, #tpu.memory_space<hbm>> -> memref<40x128xi32, #tpu.memory_space<hbm>>
        tpu.enqueue_dma source(%dma_start3A_35 : memref<40x128xi32, #tpu.memory_space<hbm>>) target(%arg8 : memref<40x128xi32, #tpu.memory_space<vmem>>) target_semaphore(%run_scoped3A : memref<!tpu.dma_semaphore, #tpu.memory_space<semaphore_mem>>)
        %dma_wait3A = arith.constant 0 : i32
        %dma_wait3A_36 = tpu.memref_slice %arg4[%add3A, %mul3A_17, %dma_wait3A] : memref<32x80x128xi32, #tpu.memory_space<hbm>> -> memref<1x40x128xi32, #tpu.memory_space<hbm>>
        %dma_wait3A_37 = tpu.memref_squeeze %dma_wait3A_36 : memref<1x40x128xi32, #tpu.memory_space<hbm>> -> memref<40x128xi32, #tpu.memory_space<hbm>>
        %dma_wait3A_38 = arith.constant 0 : i32
        %dma_wait3A_39 = tpu.memref_slice %arg4[%add3A, %mul3A_17, %dma_wait3A_38] : memref<32x80x128xi32, #tpu.memory_space<hbm>> -> memref<1x40x128xi32, #tpu.memory_space<hbm>>
        %dma_wait3A_40 = tpu.memref_squeeze %dma_wait3A_39 : memref<1x40x128xi32, #tpu.memory_space<hbm>> -> memref<40x128xi32, #tpu.memory_space<hbm>>
        tpu.wait_dma2 semaphore(%run_scoped3A : memref<!tpu.dma_semaphore, #tpu.memory_space<semaphore_mem>>) src(%dma_wait3A_40 : memref<40x128xi32, #tpu.memory_space<hbm>>) dst(%arg8 : memref<40x128xi32, #tpu.memory_space<vmem>>)
        tpu.yield
      }) : () -> ()
      %dma_start3A = arith.constant 0 : i32
      %dma_start3A_18 = arith.constant 0 : i32
      %dma_start3A_19 = tpu.memref_slice %arg7[%dma_start3A, %dma_start3A_18] : memref<40x128xi32, #tpu.memory_space<vmem>> -> memref<1x128xi32, #tpu.memory_space<vmem>>
      %dma_start3A_20 = tpu.memref_squeeze %dma_start3A_19 : memref<1x128xi32, #tpu.memory_space<vmem>> -> memref<128xi32, #tpu.memory_space<vmem>>
      %dma_start3A_21 = arith.constant 0 : i32
      %dma_start3A_22 = arith.constant 0 : i32
      %dma_start3A_23 = tpu.memref_slice %arg2[%dma_start3A_21, %dma_start3A_22] : memref<10240x128xf32, #tpu.memory_space<hbm>> -> memref<10240x128xf32, #tpu.memory_space<hbm>>
      tpu.enqueue_indirect_dma source(%dma_start3A_23 : memref<10240x128xf32, #tpu.memory_space<hbm>>) target(%arg9 : memref<128x128xf32, #tpu.memory_space<vmem>>) offsets(%dma_start3A_20 : memref<128xi32, #tpu.memory_space<vmem>>) semaphore(%arg12 : memref<!tpu.dma_semaphore, #tpu.memory_space<semaphore_mem>>)
      %scan3A_24 = arith.constant 0 : i32
      %scan3A_25 = arith.constant 0 : i32
      %scan3A_26 = arith.constant 20 : i32
      %scan3A_27 = arith.addi %scan3A_25, %scan3A_26 : i32
      %scan3A_28 = arith.constant 1 : i32
      scf.for %scan3A_30 = %scan3A_25 to %scan3A_27 step %scan3A_28  : i32 {
        %mul3A_31 = arith.constant 2 : i32
        %mul3A_32 = arith.muli %mul3A_31, %scan3A_30 : i32
        %add3A_33 = arith.constant 1 : i32
        %add3A_34 = arith.addi %mul3A_32, %add3A_33 : i32
        %dma_start3A_35 = arith.constant 0 : i32
        %dma_start3A_36 = tpu.memref_slice %arg7[%add3A_34, %dma_start3A_35] : memref<40x128xi32, #tpu.memory_space<vmem>> -> memref<1x128xi32, #tpu.memory_space<vmem>>
        %dma_start3A_37 = tpu.memref_squeeze %dma_start3A_36 : memref<1x128xi32, #tpu.memory_space<vmem>> -> memref<128xi32, #tpu.memory_space<vmem>>
        %dma_start3A_38 = arith.constant 0 : i32
        %dma_start3A_39 = arith.constant 0 : i32
        %dma_start3A_40 = tpu.memref_slice %arg2[%dma_start3A_38, %dma_start3A_39] : memref<10240x128xf32, #tpu.memory_space<hbm>> -> memref<10240x128xf32, #tpu.memory_space<hbm>>
        tpu.enqueue_indirect_dma source(%dma_start3A_40 : memref<10240x128xf32, #tpu.memory_space<hbm>>) target(%arg10 : memref<128x128xf32, #tpu.memory_space<vmem>>) offsets(%dma_start3A_37 : memref<128xi32, #tpu.memory_space<vmem>>) semaphore(%arg13 : memref<!tpu.dma_semaphore, #tpu.memory_space<semaphore_mem>>)
        %dma_wait3A = arith.constant 0 : i32
        %dma_wait3A_41 = tpu.memref_slice %arg7[%mul3A_32, %dma_wait3A] : memref<40x128xi32, #tpu.memory_space<vmem>> -> memref<1x128xi32, #tpu.memory_space<vmem>>
        %dma_wait3A_42 = tpu.memref_squeeze %dma_wait3A_41 : memref<1x128xi32, #tpu.memory_space<vmem>> -> memref<128xi32, #tpu.memory_space<vmem>>
        %dma_wait3A_43 = arith.constant 0 : i32
        %dma_wait3A_44 = arith.constant 0 : i32
        %dma_wait3A_45 = tpu.memref_slice %arg2[%dma_wait3A_43, %dma_wait3A_44] : memref<10240x128xf32, #tpu.memory_space<hbm>> -> memref<10240x128xf32, #tpu.memory_space<hbm>>
        tpu.wait_indirect_dma semaphore(%arg12 : memref<!tpu.dma_semaphore, #tpu.memory_space<semaphore_mem>>) src(%dma_wait3A_45 : memref<10240x128xf32, #tpu.memory_space<hbm>>) dst(%arg9 : memref<128x128xf32, #tpu.memory_space<vmem>>)
        "tpu.region"() ({
          %run_scoped3A = tpu.sem_alloc : memref<!tpu.dma_semaphore, #tpu.memory_space<semaphore_mem>>
          %dma_start3A_56 = arith.constant 0 : i32
          %dma_start3A_57 = tpu.memref_slice %arg8[%mul3A_32, %dma_start3A_56] : memref<40x128xi32, #tpu.memory_space<vmem>> -> memref<1x128xi32, #tpu.memory_space<vmem>>
          %dma_start3A_58 = tpu.memref_squeeze %dma_start3A_57 : memref<1x128xi32, #tpu.memory_space<vmem>> -> memref<128xi32, #tpu.memory_space<vmem>>
          %dma_start3A_59 = arith.constant 0 : i32
          %dma_start3A_60 = arith.constant 0 : i32
          %dma_start3A_61 = tpu.memref_slice %arg11[%dma_start3A_59, %dma_start3A_60] : memref<10240x128xf32, #tpu.memory_space<vmem_shared>> -> memref<10240x128xf32, #tpu.memory_space<vmem_shared>>
          tpu.enqueue_indirect_dma source(%arg9 : memref<128x128xf32, #tpu.memory_space<vmem>>) target(%dma_start3A_61 : memref<10240x128xf32, #tpu.memory_space<vmem_shared>>) offsets(%dma_start3A_58 : memref<128xi32, #tpu.memory_space<vmem>>) semaphore(%run_scoped3A : memref<!tpu.dma_semaphore, #tpu.memory_space<semaphore_mem>>) {add = true}
          %dma_wait3A_62 = arith.constant 0 : i32
          %dma_wait3A_63 = tpu.memref_slice %arg8[%mul3A_32, %dma_wait3A_62] : memref<40x128xi32, #tpu.memory_space<vmem>> -> memref<1x128xi32, #tpu.memory_space<vmem>>
          %dma_wait3A_64 = tpu.memref_squeeze %dma_wait3A_63 : memref<1x128xi32, #tpu.memory_space<vmem>> -> memref<128xi32, #tpu.memory_space<vmem>>
          %dma_wait3A_65 = arith.constant 0 : i32
          %dma_wait3A_66 = arith.constant 0 : i32
          %dma_wait3A_67 = tpu.memref_slice %arg11[%dma_wait3A_65, %dma_wait3A_66] : memref<10240x128xf32, #tpu.memory_space<vmem_shared>> -> memref<10240x128xf32, #tpu.memory_space<vmem_shared>>
          tpu.wait_indirect_dma semaphore(%run_scoped3A : memref<!tpu.dma_semaphore, #tpu.memory_space<semaphore_mem>>) src(%arg9 : memref<128x128xf32, #tpu.memory_space<vmem>>) dst(%dma_wait3A_67 : memref<10240x128xf32, #tpu.memory_space<vmem_shared>>)
          tpu.yield
        }) : () -> ()
        %add3A_46 = arith.constant 2 : i32
        %add3A_47 = arith.addi %mul3A_32, %add3A_46 : i32
        %lt3A = arith.constant 40 : i32
        %lt3A_48 = arith.cmpi slt, %add3A_47, %lt3A : i32
        %convert_element_type3A = arith.extui %lt3A_48 : i1 to i32
        %cond3A = arith.constant 0 : i32
        %cond3A_49 = arith.cmpi ne, %convert_element_type3A, %cond3A : i32
        scf.if %cond3A_49 {
          %add3A_56 = arith.constant 2 : i32
          %add3A_57 = arith.addi %mul3A_32, %add3A_56 : i32
          %dma_start3A_58 = arith.constant 0 : i32
          %dma_start3A_59 = tpu.memref_slice %arg7[%add3A_57, %dma_start3A_58] : memref<40x128xi32, #tpu.memory_space<vmem>> -> memref<1x128xi32, #tpu.memory_space<vmem>>
          %dma_start3A_60 = tpu.memref_squeeze %dma_start3A_59 : memref<1x128xi32, #tpu.memory_space<vmem>> -> memref<128xi32, #tpu.memory_space<vmem>>
          %dma_start3A_61 = arith.constant 0 : i32
          %dma_start3A_62 = arith.constant 0 : i32
          %dma_start3A_63 = tpu.memref_slice %arg2[%dma_start3A_61, %dma_start3A_62] : memref<10240x128xf32, #tpu.memory_space<hbm>> -> memref<10240x128xf32, #tpu.memory_space<hbm>>
          tpu.enqueue_indirect_dma source(%dma_start3A_63 : memref<10240x128xf32, #tpu.memory_space<hbm>>) target(%arg9 : memref<128x128xf32, #tpu.memory_space<vmem>>) offsets(%dma_start3A_60 : memref<128xi32, #tpu.memory_space<vmem>>) semaphore(%arg12 : memref<!tpu.dma_semaphore, #tpu.memory_space<semaphore_mem>>)
        } else {
        }
        %dma_wait3A_50 = arith.constant 0 : i32
        %dma_wait3A_51 = tpu.memref_slice %arg7[%add3A_34, %dma_wait3A_50] : memref<40x128xi32, #tpu.memory_space<vmem>> -> memref<1x128xi32, #tpu.memory_space<vmem>>
        %dma_wait3A_52 = tpu.memref_squeeze %dma_wait3A_51 : memref<1x128xi32, #tpu.memory_space<vmem>> -> memref<128xi32, #tpu.memory_space<vmem>>
        %dma_wait3A_53 = arith.constant 0 : i32
        %dma_wait3A_54 = arith.constant 0 : i32
        %dma_wait3A_55 = tpu.memref_slice %arg2[%dma_wait3A_53, %dma_wait3A_54] : memref<10240x128xf32, #tpu.memory_space<hbm>> -> memref<10240x128xf32, #tpu.memory_space<hbm>>
        tpu.wait_indirect_dma semaphore(%arg13 : memref<!tpu.dma_semaphore, #tpu.memory_space<semaphore_mem>>) src(%dma_wait3A_55 : memref<10240x128xf32, #tpu.memory_space<hbm>>) dst(%arg10 : memref<128x128xf32, #tpu.memory_space<vmem>>)
        "tpu.region"() ({
          %run_scoped3A = tpu.sem_alloc : memref<!tpu.dma_semaphore, #tpu.memory_space<semaphore_mem>>
          %dma_start3A_56 = arith.constant 0 : i32
          %dma_start3A_57 = tpu.memref_slice %arg8[%add3A_34, %dma_start3A_56] : memref<40x128xi32, #tpu.memory_space<vmem>> -> memref<1x128xi32, #tpu.memory_space<vmem>>
          %dma_start3A_58 = tpu.memref_squeeze %dma_start3A_57 : memref<1x128xi32, #tpu.memory_space<vmem>> -> memref<128xi32, #tpu.memory_space<vmem>>
          %dma_start3A_59 = arith.constant 0 : i32
          %dma_start3A_60 = arith.constant 0 : i32
          %dma_start3A_61 = tpu.memref_slice %arg11[%dma_start3A_59, %dma_start3A_60] : memref<10240x128xf32, #tpu.memory_space<vmem_shared>> -> memref<10240x128xf32, #tpu.memory_space<vmem_shared>>
          tpu.enqueue_indirect_dma source(%arg10 : memref<128x128xf32, #tpu.memory_space<vmem>>) target(%dma_start3A_61 : memref<10240x128xf32, #tpu.memory_space<vmem_shared>>) offsets(%dma_start3A_58 : memref<128xi32, #tpu.memory_space<vmem>>) semaphore(%run_scoped3A : memref<!tpu.dma_semaphore, #tpu.memory_space<semaphore_mem>>) {add = true}
          %dma_wait3A_62 = arith.constant 0 : i32
          %dma_wait3A_63 = tpu.memref_slice %arg8[%add3A_34, %dma_wait3A_62] : memref<40x128xi32, #tpu.memory_space<vmem>> -> memref<1x128xi32, #tpu.memory_space<vmem>>
          %dma_wait3A_64 = tpu.memref_squeeze %dma_wait3A_63 : memref<1x128xi32, #tpu.memory_space<vmem>> -> memref<128xi32, #tpu.memory_space<vmem>>
          %dma_wait3A_65 = arith.constant 0 : i32
          %dma_wait3A_66 = arith.constant 0 : i32
          %dma_wait3A_67 = tpu.memref_slice %arg11[%dma_wait3A_65, %dma_wait3A_66] : memref<10240x128xf32, #tpu.memory_space<vmem_shared>> -> memref<10240x128xf32, #tpu.memory_space<vmem_shared>>
          tpu.wait_indirect_dma semaphore(%run_scoped3A : memref<!tpu.dma_semaphore, #tpu.memory_space<semaphore_mem>>) src(%arg10 : memref<128x128xf32, #tpu.memory_space<vmem>>) dst(%dma_wait3A_67 : memref<10240x128xf32, #tpu.memory_space<vmem_shared>>)
          tpu.yield
        }) : () -> ()
      }
      %scan3A_29 = arith.constant 20 : i32
    }
    %scan3A_7 = arith.constant 2 : i32
    %barrier3A_8 = arith.constant 0 : index
    tpu.barrier barrier_id(%barrier3A_8)
    %mul3A_9 = arith.constant 640 : i32
    %mul3A_10 = arith.muli %arg1, %mul3A_9 : i32
    %mul3A_11 = arith.constant 640 : i32
    %mul3A_12 = arith.muli %arg1, %mul3A_11 : i32
    "tpu.region"() ({
      %run_scoped3A = tpu.sem_alloc : memref<!tpu.dma_semaphore, #tpu.memory_space<semaphore_mem>>
      %dma_start3A = arith.constant 0 : i32
      %dma_start3A_13 = tpu.memref_slice %arg6[%arg0, %mul3A_12, %dma_start3A] : memref<2x10240x128xf32, #tpu.memory_space<hbm>> -> memref<1x640x128xf32, #tpu.memory_space<hbm>>
      %dma_start3A_14 = tpu.memref_squeeze %dma_start3A_13 : memref<1x640x128xf32, #tpu.memory_space<hbm>> -> memref<640x128xf32, #tpu.memory_space<hbm>>
      %dma_start3A_15 = arith.constant 0 : i32
      %dma_start3A_16 = tpu.memref_slice %arg11[%mul3A_10, %dma_start3A_15] : memref<10240x128xf32, #tpu.memory_space<vmem_shared>> -> memref<640x128xf32, #tpu.memory_space<vmem_shared>>
      tpu.enqueue_dma source(%dma_start3A_16 : memref<640x128xf32, #tpu.memory_space<vmem_shared>>) target(%dma_start3A_14 : memref<640x128xf32, #tpu.memory_space<hbm>>) target_semaphore(%run_scoped3A : memref<!tpu.dma_semaphore, #tpu.memory_space<semaphore_mem>>)
      %dma_wait3A = arith.constant 0 : i32
      %dma_wait3A_17 = tpu.memref_slice %arg6[%arg0, %mul3A_12, %dma_wait3A] : memref<2x10240x128xf32, #tpu.memory_space<hbm>> -> memref<1x640x128xf32, #tpu.memory_space<hbm>>
      %dma_wait3A_18 = tpu.memref_squeeze %dma_wait3A_17 : memref<1x640x128xf32, #tpu.memory_space<hbm>> -> memref<640x128xf32, #tpu.memory_space<hbm>>
      %dma_wait3A_19 = arith.constant 0 : i32
      %dma_wait3A_20 = tpu.memref_slice %arg11[%mul3A_10, %dma_wait3A_19] : memref<10240x128xf32, #tpu.memory_space<vmem_shared>> -> memref<640x128xf32, #tpu.memory_space<vmem_shared>>
      tpu.wait_dma2 semaphore(%run_scoped3A : memref<!tpu.dma_semaphore, #tpu.memory_space<semaphore_mem>>) src(%dma_wait3A_20 : memref<640x128xf32, #tpu.memory_space<vmem_shared>>) dst(%dma_wait3A_18 : memref<640x128xf32, #tpu.memory_space<hbm>>)
      tpu.yield
    }) : () -> ()
    return
  }
}

#map = affine_map<(d0, d1) -> (0, 0)>
#map1 = affine_map<(d0, d1) -> (0, 0, 0)>
module attributes {stable_mosaic.version = 14 : i64} {
  func.func @_agg(%arg0: i32, %arg1: i32, %arg2: memref<10240x128xf32, #tpu.memory_space<hbm>>, %arg3: memref<32x80x128xi32, #tpu.memory_space<hbm>>, %arg4: memref<32x80x128xi32, #tpu.memory_space<hbm>>, %arg5: memref<640x128xf32, #tpu.memory_space<hbm>>, %arg6: memref<2x10240x128xf32, #tpu.memory_space<hbm>>, %arg7: memref<40x128xi32, #tpu.memory_space<vmem>>, %arg8: memref<40x128xi32, #tpu.memory_space<vmem>>, %arg9: memref<128x128xf32, #tpu.memory_space<vmem>>, %arg10: memref<128x128xf32, #tpu.memory_space<vmem>>, %arg11: memref<10240x128xf32, #tpu.memory_space<vmem_shared>>, %arg12: memref<!tpu.dma_semaphore, #tpu.memory_space<semaphore_mem>>, %arg13: memref<!tpu.dma_semaphore, #tpu.memory_space<semaphore_mem>>) attributes {dimension_semantics = [#tpu.dimension_semantics<core_parallel>, #tpu.dimension_semantics<subcore_parallel>], iteration_bounds = array<i64: 2, 16>, scalar_prefetch = 0 : i64, scratch_operands = 7 : i64, tpu.core_type = #tpu.core_type<sc_vector_subcore>, window_params = [{transform_indices = #map}, {transform_indices = #map1}, {transform_indices = #map1}, {transform_indices = #map}, {transform_indices = #map1}]} {
    %mul3A = arith.constant 2 : i32
    %mul3A_0 = arith.muli %arg1, %mul3A : i32
    %add3A = arith.addi %mul3A_0, %arg0 : i32
    %mul3A_1 = arith.constant 640 : i32
    %mul3A_2 = arith.muli %arg1, %mul3A_1 : i32
    "tpu.region"() ({
      %run_scoped3A = tpu.sem_alloc : memref<!tpu.dma_semaphore, #tpu.memory_space<semaphore_mem>>
      %dma_start3A = arith.constant 0 : i32
      %dma_start3A_13 = tpu.memref_slice %arg11[%mul3A_2, %dma_start3A] : memref<10240x128xf32, #tpu.memory_space<vmem_shared>> -> memref<640x128xf32, #tpu.memory_space<vmem_shared>>
      tpu.enqueue_dma source(%arg5 : memref<640x128xf32, #tpu.memory_space<hbm>>) target(%dma_start3A_13 : memref<640x128xf32, #tpu.memory_space<vmem_shared>>) target_semaphore(%run_scoped3A : memref<!tpu.dma_semaphore, #tpu.memory_space<semaphore_mem>>)
      %dma_wait3A = arith.constant 0 : i32
      %dma_wait3A_14 = tpu.memref_slice %arg11[%mul3A_2, %dma_wait3A] : memref<10240x128xf32, #tpu.memory_space<vmem_shared>> -> memref<640x128xf32, #tpu.memory_space<vmem_shared>>
      tpu.wait_dma2 semaphore(%run_scoped3A : memref<!tpu.dma_semaphore, #tpu.memory_space<semaphore_mem>>) src(%arg5 : memref<640x128xf32, #tpu.memory_space<hbm>>) dst(%dma_wait3A_14 : memref<640x128xf32, #tpu.memory_space<vmem_shared>>)
      tpu.yield
    }) : () -> ()
    %barrier3A = arith.constant 0 : index
    tpu.barrier barrier_id(%barrier3A)
    %scan3A = arith.constant 0 : i32
    %scan3A_3 = arith.constant 0 : i32
    %scan3A_4 = arith.constant 2 : i32
    %scan3A_5 = arith.addi %scan3A_3, %scan3A_4 : i32
    %scan3A_6 = arith.constant 1 : i32
    scf.for %scan3A_13 = %scan3A_3 to %scan3A_5 step %scan3A_6  : i32 {
      %mul3A_14 = arith.constant 40 : i32
      %mul3A_15 = arith.muli %scan3A_13, %mul3A_14 : i32
      "tpu.region"() ({
        %run_scoped3A = tpu.sem_alloc : memref<!tpu.dma_semaphore, #tpu.memory_space<semaphore_mem>>
        %dma_start3A_30 = arith.constant 0 : i32
        %dma_start3A_31 = tpu.memref_slice %arg3[%add3A, %mul3A_15, %dma_start3A_30] : memref<32x80x128xi32, #tpu.memory_space<hbm>> -> memref<1x40x128xi32, #tpu.memory_space<hbm>>
        %dma_start3A_32 = tpu.memref_squeeze %dma_start3A_31 : memref<1x40x128xi32, #tpu.memory_space<hbm>> -> memref<40x128xi32, #tpu.memory_space<hbm>>
        %dma_start3A_33 = arith.constant 0 : i32
        %dma_start3A_34 = tpu.memref_slice %arg3[%add3A, %mul3A_15, %dma_start3A_33] : memref<32x80x128xi32, #tpu.memory_space<hbm>> -> memref<1x40x128xi32, #tpu.memory_space<hbm>>
        %dma_start3A_35 = tpu.memref_squeeze %dma_start3A_34 : memref<1x40x128xi32, #tpu.memory_space<hbm>> -> memref<40x128xi32, #tpu.memory_space<hbm>>
        tpu.enqueue_dma source(%dma_start3A_35 : memref<40x128xi32, #tpu.memory_space<hbm>>) target(%arg7 : memref<40x128xi32, #tpu.memory_space<vmem>>) target_semaphore(%run_scoped3A : memref<!tpu.dma_semaphore, #tpu.memory_space<semaphore_mem>>)
        %dma_wait3A = arith.constant 0 : i32
        %dma_wait3A_36 = tpu.memref_slice %arg3[%add3A, %mul3A_15, %dma_wait3A] : memref<32x80x128xi32, #tpu.memory_space<hbm>> -> memref<1x40x128xi32, #tpu.memory_space<hbm>>
        %dma_wait3A_37 = tpu.memref_squeeze %dma_wait3A_36 : memref<1x40x128xi32, #tpu.memory_space<hbm>> -> memref<40x128xi32, #tpu.memory_space<hbm>>
        %dma_wait3A_38 = arith.constant 0 : i32
        %dma_wait3A_39 = tpu.memref_slice %arg3[%add3A, %mul3A_15, %dma_wait3A_38] : memref<32x80x128xi32, #tpu.memory_space<hbm>> -> memref<1x40x128xi32, #tpu.memory_space<hbm>>
        %dma_wait3A_40 = tpu.memref_squeeze %dma_wait3A_39 : memref<1x40x128xi32, #tpu.memory_space<hbm>> -> memref<40x128xi32, #tpu.memory_space<hbm>>
        tpu.wait_dma2 semaphore(%run_scoped3A : memref<!tpu.dma_semaphore, #tpu.memory_space<semaphore_mem>>) src(%dma_wait3A_40 : memref<40x128xi32, #tpu.memory_space<hbm>>) dst(%arg7 : memref<40x128xi32, #tpu.memory_space<vmem>>)
        tpu.yield
      }) : () -> ()
      %mul3A_16 = arith.constant 40 : i32
      %mul3A_17 = arith.muli %scan3A_13, %mul3A_16 : i32
      "tpu.region"() ({
        %run_scoped3A = tpu.sem_alloc : memref<!tpu.dma_semaphore, #tpu.memory_space<semaphore_mem>>
        %dma_start3A_30 = arith.constant 0 : i32
        %dma_start3A_31 = tpu.memref_slice %arg4[%add3A, %mul3A_17, %dma_start3A_30] : memref<32x80x128xi32, #tpu.memory_space<hbm>> -> memref<1x40x128xi32, #tpu.memory_space<hbm>>
        %dma_start3A_32 = tpu.memref_squeeze %dma_start3A_31 : memref<1x40x128xi32, #tpu.memory_space<hbm>> -> memref<40x128xi32, #tpu.memory_space<hbm>>
        %dma_start3A_33 = arith.constant 0 : i32
        %dma_start3A_34 = tpu.memref_slice %arg4[%add3A, %mul3A_17, %dma_start3A_33] : memref<32x80x128xi32, #tpu.memory_space<hbm>> -> memref<1x40x128xi32, #tpu.memory_space<hbm>>
        %dma_start3A_35 = tpu.memref_squeeze %dma_start3A_34 : memref<1x40x128xi32, #tpu.memory_space<hbm>> -> memref<40x128xi32, #tpu.memory_space<hbm>>
        tpu.enqueue_dma source(%dma_start3A_35 : memref<40x128xi32, #tpu.memory_space<hbm>>) target(%arg8 : memref<40x128xi32, #tpu.memory_space<vmem>>) target_semaphore(%run_scoped3A : memref<!tpu.dma_semaphore, #tpu.memory_space<semaphore_mem>>)
        %dma_wait3A = arith.constant 0 : i32
        %dma_wait3A_36 = tpu.memref_slice %arg4[%add3A, %mul3A_17, %dma_wait3A] : memref<32x80x128xi32, #tpu.memory_space<hbm>> -> memref<1x40x128xi32, #tpu.memory_space<hbm>>
        %dma_wait3A_37 = tpu.memref_squeeze %dma_wait3A_36 : memref<1x40x128xi32, #tpu.memory_space<hbm>> -> memref<40x128xi32, #tpu.memory_space<hbm>>
        %dma_wait3A_38 = arith.constant 0 : i32
        %dma_wait3A_39 = tpu.memref_slice %arg4[%add3A, %mul3A_17, %dma_wait3A_38] : memref<32x80x128xi32, #tpu.memory_space<hbm>> -> memref<1x40x128xi32, #tpu.memory_space<hbm>>
        %dma_wait3A_40 = tpu.memref_squeeze %dma_wait3A_39 : memref<1x40x128xi32, #tpu.memory_space<hbm>> -> memref<40x128xi32, #tpu.memory_space<hbm>>
        tpu.wait_dma2 semaphore(%run_scoped3A : memref<!tpu.dma_semaphore, #tpu.memory_space<semaphore_mem>>) src(%dma_wait3A_40 : memref<40x128xi32, #tpu.memory_space<hbm>>) dst(%arg8 : memref<40x128xi32, #tpu.memory_space<vmem>>)
        tpu.yield
      }) : () -> ()
      %dma_start3A = arith.constant 0 : i32
      %dma_start3A_18 = arith.constant 0 : i32
      %dma_start3A_19 = tpu.memref_slice %arg7[%dma_start3A, %dma_start3A_18] : memref<40x128xi32, #tpu.memory_space<vmem>> -> memref<1x128xi32, #tpu.memory_space<vmem>>
      %dma_start3A_20 = tpu.memref_squeeze %dma_start3A_19 : memref<1x128xi32, #tpu.memory_space<vmem>> -> memref<128xi32, #tpu.memory_space<vmem>>
      %dma_start3A_21 = arith.constant 0 : i32
      %dma_start3A_22 = arith.constant 0 : i32
      %dma_start3A_23 = tpu.memref_slice %arg2[%dma_start3A_21, %dma_start3A_22] : memref<10240x128xf32, #tpu.memory_space<hbm>> -> memref<10240x128xf32, #tpu.memory_space<hbm>>
      tpu.enqueue_indirect_dma source(%dma_start3A_23 : memref<10240x128xf32, #tpu.memory_space<hbm>>) target(%arg9 : memref<128x128xf32, #tpu.memory_space<vmem>>) offsets(%dma_start3A_20 : memref<128xi32, #tpu.memory_space<vmem>>) semaphore(%arg12 : memref<!tpu.dma_semaphore, #tpu.memory_space<semaphore_mem>>)
      %scan3A_24 = arith.constant 0 : i32
      %scan3A_25 = arith.constant 0 : i32
      %scan3A_26 = arith.constant 20 : i32
      %scan3A_27 = arith.addi %scan3A_25, %scan3A_26 : i32
      %scan3A_28 = arith.constant 1 : i32
      scf.for %scan3A_30 = %scan3A_25 to %scan3A_27 step %scan3A_28  : i32 {
        %mul3A_31 = arith.constant 2 : i32
        %mul3A_32 = arith.muli %mul3A_31, %scan3A_30 : i32
        %add3A_33 = arith.constant 1 : i32
        %add3A_34 = arith.addi %mul3A_32, %add3A_33 : i32
        %dma_start3A_35 = arith.constant 0 : i32
        %dma_start3A_36 = tpu.memref_slice %arg7[%add3A_34, %dma_start3A_35] : memref<40x128xi32, #tpu.memory_space<vmem>> -> memref<1x128xi32, #tpu.memory_space<vmem>>
        %dma_start3A_37 = tpu.memref_squeeze %dma_start3A_36 : memref<1x128xi32, #tpu.memory_space<vmem>> -> memref<128xi32, #tpu.memory_space<vmem>>
        %dma_start3A_38 = arith.constant 0 : i32
        %dma_start3A_39 = arith.constant 0 : i32
        %dma_start3A_40 = tpu.memref_slice %arg2[%dma_start3A_38, %dma_start3A_39] : memref<10240x128xf32, #tpu.memory_space<hbm>> -> memref<10240x128xf32, #tpu.memory_space<hbm>>
        tpu.enqueue_indirect_dma source(%dma_start3A_40 : memref<10240x128xf32, #tpu.memory_space<hbm>>) target(%arg10 : memref<128x128xf32, #tpu.memory_space<vmem>>) offsets(%dma_start3A_37 : memref<128xi32, #tpu.memory_space<vmem>>) semaphore(%arg13 : memref<!tpu.dma_semaphore, #tpu.memory_space<semaphore_mem>>)
        %dma_wait3A = arith.constant 0 : i32
        %dma_wait3A_41 = tpu.memref_slice %arg7[%mul3A_32, %dma_wait3A] : memref<40x128xi32, #tpu.memory_space<vmem>> -> memref<1x128xi32, #tpu.memory_space<vmem>>
        %dma_wait3A_42 = tpu.memref_squeeze %dma_wait3A_41 : memref<1x128xi32, #tpu.memory_space<vmem>> -> memref<128xi32, #tpu.memory_space<vmem>>
        %dma_wait3A_43 = arith.constant 0 : i32
        %dma_wait3A_44 = arith.constant 0 : i32
        %dma_wait3A_45 = tpu.memref_slice %arg2[%dma_wait3A_43, %dma_wait3A_44] : memref<10240x128xf32, #tpu.memory_space<hbm>> -> memref<10240x128xf32, #tpu.memory_space<hbm>>
        tpu.wait_indirect_dma semaphore(%arg12 : memref<!tpu.dma_semaphore, #tpu.memory_space<semaphore_mem>>) src(%dma_wait3A_45 : memref<10240x128xf32, #tpu.memory_space<hbm>>) dst(%arg9 : memref<128x128xf32, #tpu.memory_space<vmem>>)
        "tpu.region"() ({
          %run_scoped3A = tpu.sem_alloc : memref<!tpu.dma_semaphore, #tpu.memory_space<semaphore_mem>>
          %dma_start3A_56 = arith.constant 0 : i32
          %dma_start3A_57 = tpu.memref_slice %arg8[%mul3A_32, %dma_start3A_56] : memref<40x128xi32, #tpu.memory_space<vmem>> -> memref<1x128xi32, #tpu.memory_space<vmem>>
          %dma_start3A_58 = tpu.memref_squeeze %dma_start3A_57 : memref<1x128xi32, #tpu.memory_space<vmem>> -> memref<128xi32, #tpu.memory_space<vmem>>
          %dma_start3A_59 = arith.constant 0 : i32
          %dma_start3A_60 = arith.constant 0 : i32
          %dma_start3A_61 = tpu.memref_slice %arg11[%dma_start3A_59, %dma_start3A_60] : memref<10240x128xf32, #tpu.memory_space<vmem_shared>> -> memref<10240x128xf32, #tpu.memory_space<vmem_shared>>
          tpu.enqueue_indirect_dma source(%arg9 : memref<128x128xf32, #tpu.memory_space<vmem>>) target(%dma_start3A_61 : memref<10240x128xf32, #tpu.memory_space<vmem_shared>>) offsets(%dma_start3A_58 : memref<128xi32, #tpu.memory_space<vmem>>) semaphore(%run_scoped3A : memref<!tpu.dma_semaphore, #tpu.memory_space<semaphore_mem>>) {add = true}
          %dma_wait3A_62 = arith.constant 0 : i32
          %dma_wait3A_63 = tpu.memref_slice %arg8[%mul3A_32, %dma_wait3A_62] : memref<40x128xi32, #tpu.memory_space<vmem>> -> memref<1x128xi32, #tpu.memory_space<vmem>>
          %dma_wait3A_64 = tpu.memref_squeeze %dma_wait3A_63 : memref<1x128xi32, #tpu.memory_space<vmem>> -> memref<128xi32, #tpu.memory_space<vmem>>
          %dma_wait3A_65 = arith.constant 0 : i32
          %dma_wait3A_66 = arith.constant 0 : i32
          %dma_wait3A_67 = tpu.memref_slice %arg11[%dma_wait3A_65, %dma_wait3A_66] : memref<10240x128xf32, #tpu.memory_space<vmem_shared>> -> memref<10240x128xf32, #tpu.memory_space<vmem_shared>>
          tpu.wait_indirect_dma semaphore(%run_scoped3A : memref<!tpu.dma_semaphore, #tpu.memory_space<semaphore_mem>>) src(%arg9 : memref<128x128xf32, #tpu.memory_space<vmem>>) dst(%dma_wait3A_67 : memref<10240x128xf32, #tpu.memory_space<vmem_shared>>)
          tpu.yield
        }) : () -> ()
        %add3A_46 = arith.constant 2 : i32
        %add3A_47 = arith.addi %mul3A_32, %add3A_46 : i32
        %lt3A = arith.constant 40 : i32
        %lt3A_48 = arith.cmpi slt, %add3A_47, %lt3A : i32
        %convert_element_type3A = arith.extui %lt3A_48 : i1 to i32
        %cond3A = arith.constant 0 : i32
        %cond3A_49 = arith.cmpi ne, %convert_element_type3A, %cond3A : i32
        scf.if %cond3A_49 {
          %add3A_56 = arith.constant 2 : i32
          %add3A_57 = arith.addi %mul3A_32, %add3A_56 : i32
          %dma_start3A_58 = arith.constant 0 : i32
          %dma_start3A_59 = tpu.memref_slice %arg7[%add3A_57, %dma_start3A_58] : memref<40x128xi32, #tpu.memory_space<vmem>> -> memref<1x128xi32, #tpu.memory_space<vmem>>
          %dma_start3A_60 = tpu.memref_squeeze %dma_start3A_59 : memref<1x128xi32, #tpu.memory_space<vmem>> -> memref<128xi32, #tpu.memory_space<vmem>>
          %dma_start3A_61 = arith.constant 0 : i32
          %dma_start3A_62 = arith.constant 0 : i32
          %dma_start3A_63 = tpu.memref_slice %arg2[%dma_start3A_61, %dma_start3A_62] : memref<10240x128xf32, #tpu.memory_space<hbm>> -> memref<10240x128xf32, #tpu.memory_space<hbm>>
          tpu.enqueue_indirect_dma source(%dma_start3A_63 : memref<10240x128xf32, #tpu.memory_space<hbm>>) target(%arg9 : memref<128x128xf32, #tpu.memory_space<vmem>>) offsets(%dma_start3A_60 : memref<128xi32, #tpu.memory_space<vmem>>) semaphore(%arg12 : memref<!tpu.dma_semaphore, #tpu.memory_space<semaphore_mem>>)
        } else {
        }
        %dma_wait3A_50 = arith.constant 0 : i32
        %dma_wait3A_51 = tpu.memref_slice %arg7[%add3A_34, %dma_wait3A_50] : memref<40x128xi32, #tpu.memory_space<vmem>> -> memref<1x128xi32, #tpu.memory_space<vmem>>
        %dma_wait3A_52 = tpu.memref_squeeze %dma_wait3A_51 : memref<1x128xi32, #tpu.memory_space<vmem>> -> memref<128xi32, #tpu.memory_space<vmem>>
        %dma_wait3A_53 = arith.constant 0 : i32
        %dma_wait3A_54 = arith.constant 0 : i32
        %dma_wait3A_55 = tpu.memref_slice %arg2[%dma_wait3A_53, %dma_wait3A_54] : memref<10240x128xf32, #tpu.memory_space<hbm>> -> memref<10240x128xf32, #tpu.memory_space<hbm>>
        tpu.wait_indirect_dma semaphore(%arg13 : memref<!tpu.dma_semaphore, #tpu.memory_space<semaphore_mem>>) src(%dma_wait3A_55 : memref<10240x128xf32, #tpu.memory_space<hbm>>) dst(%arg10 : memref<128x128xf32, #tpu.memory_space<vmem>>)
        "tpu.region"() ({
          %run_scoped3A = tpu.sem_alloc : memref<!tpu.dma_semaphore, #tpu.memory_space<semaphore_mem>>
          %dma_start3A_56 = arith.constant 0 : i32
          %dma_start3A_57 = tpu.memref_slice %arg8[%add3A_34, %dma_start3A_56] : memref<40x128xi32, #tpu.memory_space<vmem>> -> memref<1x128xi32, #tpu.memory_space<vmem>>
          %dma_start3A_58 = tpu.memref_squeeze %dma_start3A_57 : memref<1x128xi32, #tpu.memory_space<vmem>> -> memref<128xi32, #tpu.memory_space<vmem>>
          %dma_start3A_59 = arith.constant 0 : i32
          %dma_start3A_60 = arith.constant 0 : i32
          %dma_start3A_61 = tpu.memref_slice %arg11[%dma_start3A_59, %dma_start3A_60] : memref<10240x128xf32, #tpu.memory_space<vmem_shared>> -> memref<10240x128xf32, #tpu.memory_space<vmem_shared>>
          tpu.enqueue_indirect_dma source(%arg10 : memref<128x128xf32, #tpu.memory_space<vmem>>) target(%dma_start3A_61 : memref<10240x128xf32, #tpu.memory_space<vmem_shared>>) offsets(%dma_start3A_58 : memref<128xi32, #tpu.memory_space<vmem>>) semaphore(%run_scoped3A : memref<!tpu.dma_semaphore, #tpu.memory_space<semaphore_mem>>) {add = true}
          %dma_wait3A_62 = arith.constant 0 : i32
          %dma_wait3A_63 = tpu.memref_slice %arg8[%add3A_34, %dma_wait3A_62] : memref<40x128xi32, #tpu.memory_space<vmem>> -> memref<1x128xi32, #tpu.memory_space<vmem>>
          %dma_wait3A_64 = tpu.memref_squeeze %dma_wait3A_63 : memref<1x128xi32, #tpu.memory_space<vmem>> -> memref<128xi32, #tpu.memory_space<vmem>>
          %dma_wait3A_65 = arith.constant 0 : i32
          %dma_wait3A_66 = arith.constant 0 : i32
          %dma_wait3A_67 = tpu.memref_slice %arg11[%dma_wait3A_65, %dma_wait3A_66] : memref<10240x128xf32, #tpu.memory_space<vmem_shared>> -> memref<10240x128xf32, #tpu.memory_space<vmem_shared>>
          tpu.wait_indirect_dma semaphore(%run_scoped3A : memref<!tpu.dma_semaphore, #tpu.memory_space<semaphore_mem>>) src(%arg10 : memref<128x128xf32, #tpu.memory_space<vmem>>) dst(%dma_wait3A_67 : memref<10240x128xf32, #tpu.memory_space<vmem_shared>>)
          tpu.yield
        }) : () -> ()
      }
      %scan3A_29 = arith.constant 20 : i32
    }
    %scan3A_7 = arith.constant 2 : i32
    %barrier3A_8 = arith.constant 0 : index
    tpu.barrier barrier_id(%barrier3A_8)
    %mul3A_9 = arith.constant 640 : i32
    %mul3A_10 = arith.muli %arg1, %mul3A_9 : i32
    %mul3A_11 = arith.constant 640 : i32
    %mul3A_12 = arith.muli %arg1, %mul3A_11 : i32
    "tpu.region"() ({
      %run_scoped3A = tpu.sem_alloc : memref<!tpu.dma_semaphore, #tpu.memory_space<semaphore_mem>>
      %dma_start3A = arith.constant 0 : i32
      %dma_start3A_13 = tpu.memref_slice %arg6[%arg0, %mul3A_12, %dma_start3A] : memref<2x10240x128xf32, #tpu.memory_space<hbm>> -> memref<1x640x128xf32, #tpu.memory_space<hbm>>
      %dma_start3A_14 = tpu.memref_squeeze %dma_start3A_13 : memref<1x640x128xf32, #tpu.memory_space<hbm>> -> memref<640x128xf32, #tpu.memory_space<hbm>>
      %dma_start3A_15 = arith.constant 0 : i32
      %dma_start3A_16 = tpu.memref_slice %arg11[%mul3A_10, %dma_start3A_15] : memref<10240x128xf32, #tpu.memory_space<vmem_shared>> -> memref<640x128xf32, #tpu.memory_space<vmem_shared>>
      tpu.enqueue_dma source(%dma_start3A_16 : memref<640x128xf32, #tpu.memory_space<vmem_shared>>) target(%dma_start3A_14 : memref<640x128xf32, #tpu.memory_space<hbm>>) target_semaphore(%run_scoped3A : memref<!tpu.dma_semaphore, #tpu.memory_space<semaphore_mem>>)
      %dma_wait3A = arith.constant 0 : i32
      %dma_wait3A_17 = tpu.memref_slice %arg6[%arg0, %mul3A_12, %dma_wait3A] : memref<2x10240x128xf32, #tpu.memory_space<hbm>> -> memref<1x640x128xf32, #tpu.memory_space<hbm>>
      %dma_wait3A_18 = tpu.memref_squeeze %dma_wait3A_17 : memref<1x640x128xf32, #tpu.memory_space<hbm>> -> memref<640x128xf32, #tpu.memory_space<hbm>>
      %dma_wait3A_19 = arith.constant 0 : i32
      %dma_wait3A_20 = tpu.memref_slice %arg11[%mul3A_10, %dma_wait3A_19] : memref<10240x128xf32, #tpu.memory_space<vmem_shared>> -> memref<640x128xf32, #tpu.memory_space<vmem_shared>>
      tpu.wait_dma2 semaphore(%run_scoped3A : memref<!tpu.dma_semaphore, #tpu.memory_space<semaphore_mem>>) src(%dma_wait3A_20 : memref<640x128xf32, #tpu.memory_space<vmem_shared>>) dst(%dma_wait3A_18 : memref<640x128xf32, #tpu.memory_space<hbm>>)
      tpu.yield
    }) : () -> ()
    return
  }
}

module attributes {stable_mosaic.version = 14 : i64} {
  func.func @_mm_body(%arg0: i32, %arg1: memref<1280x128xf32, #tpu.memory_space<vmem>>, %arg2: memref<128x128xf32, #tpu.memory_space<vmem>>, %arg3: memref<1280x128xf32, #tpu.memory_space<vmem>>) attributes {dimension_semantics = [#tpu.dimension_semantics<arbitrary>], iteration_bounds = array<i64: 8>, scalar_prefetch = 0 : i64, scratch_operands = 0 : i64, tpu.core_type = #tpu.core_type<tc>, window_params = [{transform_indices = @transform_0, window_bounds = array<i64: 1280, 128>}, {pipeline_mode = #tpu.pipeline_mode<synchronous>, transform_indices = @transform_1, window_bounds = array<i64: 128, 128>}, {transform_indices = @transform_2, window_bounds = array<i64: 1280, 128>}]} {
    %get3A = arith.constant 0 : index
    %get3A_0 = arith.constant 0 : index
    %get3A_1 = vector.load %arg1[%get3A, %get3A_0] : memref<1280x128xf32, #tpu.memory_space<vmem>>, vector<1280x128xf32>
    %get3A_2 = arith.constant 0 : index
    %get3A_3 = arith.constant 0 : index
    %get3A_4 = vector.load %arg2[%get3A_2, %get3A_3] : memref<128x128xf32, #tpu.memory_space<vmem>>, vector<128x128xf32>
    %dot_general3A = arith.constant dense<0.000000e+00> : vector<1280x128xf32>
    %dot_general3A_5 = tpu.matmul %get3A_1, %get3A_4, %dot_general3A {dimension_numbers = #tpu.dot_dimension_numbers<[1], [0], [0], [1], [0, 0, 1, 1], [], []>, transpose_lhs_hint = false} : vector<1280x128xf32>, vector<128x128xf32>, vector<1280x128xf32> -> vector<1280x128xf32>
    %swap3A = arith.constant 0 : index
    %swap3A_6 = arith.constant 0 : index
    %swap3A_7 = vector.load %arg3[%swap3A, %swap3A_6] : memref<1280x128xf32, #tpu.memory_space<vmem>>, vector<1280x128xf32>
    tpu.vector_store %arg3[%swap3A, %swap3A_6], %dot_general3A_5 {strides = array<i32>} : memref<1280x128xf32, #tpu.memory_space<vmem>>, vector<1280x128xf32>,
    return
  }
  func.func @transform_0(%arg0: i32) -> (i32, i32) {
    %c0_i32 = arith.constant 0 : i32
    %c0_i32_0 = arith.constant 0 : i32
    return %arg0, %c0_i32 : i32, i32
  }
  func.func @transform_1(%arg0: i32) -> (i32, i32) {
    %c0_i32 = arith.constant 0 : i32
    %c0_i32_0 = arith.constant 0 : i32
    %c0_i32_1 = arith.constant 0 : i32
    return %c0_i32, %c0_i32_0 : i32, i32
  }
  func.func @transform_2(%arg0: i32) -> (i32, i32) {
    %c0_i32 = arith.constant 0 : i32
    %c0_i32_0 = arith.constant 0 : i32
    return %arg0, %c0_i32 : i32, i32
  }
}

module attributes {stable_mosaic.version = 14 : i64} {
  func.func @_scale_body(%arg0: i32, %arg1: memref<1280x128xf32, #tpu.memory_space<vmem>>, %arg2: memref<1280x1xf32, #tpu.memory_space<vmem>>, %arg3: memref<1280x128xf32, #tpu.memory_space<vmem>>) attributes {dimension_semantics = [#tpu.dimension_semantics<arbitrary>], iteration_bounds = array<i64: 8>, scalar_prefetch = 0 : i64, scratch_operands = 0 : i64, tpu.core_type = #tpu.core_type<tc>, window_params = [{transform_indices = @transform_0, window_bounds = array<i64: 1280, 128>}, {transform_indices = @transform_1, window_bounds = array<i64: 1280, 1>}, {transform_indices = @transform_2, window_bounds = array<i64: 1280, 128>}]} {
    %get3A = arith.constant 0 : index
    %get3A_0 = arith.constant 0 : index
    %get3A_1 = vector.load %arg2[%get3A, %get3A_0] : memref<1280x1xf32, #tpu.memory_space<vmem>>, vector<1280x1xf32>
    %add3A = arith.constant 1.000000e+00 : f32
    %add3A_2 = vector.broadcast %add3A : f32 to vector<1280x1xf32>
    %add3A_3 = arith.addf %get3A_1, %add3A_2 : vector<1280x1xf32>
    %rsqrt3A = math.rsqrt %add3A_3 : vector<1280x1xf32>
    %get3A_4 = arith.constant 0 : index
    %get3A_5 = arith.constant 0 : index
    %get3A_6 = vector.load %arg1[%get3A_4, %get3A_5] : memref<1280x128xf32, #tpu.memory_space<vmem>>, vector<1280x128xf32>
    %mul3A = vector.broadcast %rsqrt3A : vector<1280x1xf32> to vector<1280x128xf32>
    %mul3A_7 = arith.mulf %get3A_6, %mul3A : vector<1280x128xf32>
    %swap3A = arith.constant 0 : index
    %swap3A_8 = arith.constant 0 : index
    %swap3A_9 = vector.load %arg3[%swap3A, %swap3A_8] : memref<1280x128xf32, #tpu.memory_space<vmem>>, vector<1280x128xf32>
    tpu.vector_store %arg3[%swap3A, %swap3A_8], %mul3A_7 {strides = array<i32>} : memref<1280x128xf32, #tpu.memory_space<vmem>>, vector<1280x128xf32>,
    return
  }
  func.func @transform_0(%arg0: i32) -> (i32, i32) {
    %c0_i32 = arith.constant 0 : i32
    %c0_i32_0 = arith.constant 0 : i32
    return %arg0, %c0_i32 : i32, i32
  }
  func.func @transform_1(%arg0: i32) -> (i32, i32) {
    %c0_i32 = arith.constant 0 : i32
    %c0_i32_0 = arith.constant 0 : i32
    return %arg0, %c0_i32 : i32, i32
  }
  func.func @transform_2(%arg0: i32) -> (i32, i32) {
    %c0_i32 = arith.constant 0 : i32
    %c0_i32_0 = arith.constant 0 : i32
    return %arg0, %c0_i32 : i32, i32
  }
}

module attributes {stable_mosaic.version = 14 : i64} {
  func.func @_tc2_body(%arg0: i32, %arg1: memref<2x1280x128xf32, #tpu.memory_space<vmem>>, %arg2: memref<1280x128xf32, #tpu.memory_space<vmem>>, %arg3: memref<1280x1xf32, #tpu.memory_space<vmem>>, %arg4: memref<1x128xf32, #tpu.memory_space<vmem>>, %arg5: memref<128x128xf32, #tpu.memory_space<vmem>>, %arg6: memref<1280x128xf32, #tpu.memory_space<vmem>>) attributes {dimension_semantics = [#tpu.dimension_semantics<arbitrary>], iteration_bounds = array<i64: 8>, scalar_prefetch = 0 : i64, scratch_operands = 0 : i64, tpu.core_type = #tpu.core_type<tc>, window_params = [{transform_indices = @transform_0, window_bounds = array<i64: 2, 1280, 128>}, {transform_indices = @transform_1, window_bounds = array<i64: 1280, 128>}, {transform_indices = @transform_2, window_bounds = array<i64: 1280, 1>}, {pipeline_mode = #tpu.pipeline_mode<synchronous>, transform_indices = @transform_3, window_bounds = array<i64: 1, 128>}, {pipeline_mode = #tpu.pipeline_mode<synchronous>, transform_indices = @transform_4, window_bounds = array<i64: 128, 128>}, {transform_indices = @transform_5, window_bounds = array<i64: 1280, 128>}]} {
    %get3A = arith.constant 0 : index
    %get3A_0 = arith.constant 0 : index
    %get3A_1 = vector.load %arg3[%get3A, %get3A_0] : memref<1280x1xf32, #tpu.memory_space<vmem>>, vector<1280x1xf32>
    %add3A = arith.constant 1.000000e+00 : f32
    %add3A_2 = vector.broadcast %add3A : f32 to vector<1280x1xf32>
    %add3A_3 = arith.addf %get3A_1, %add3A_2 : vector<1280x1xf32>
    %rsqrt3A = math.rsqrt %add3A_3 : vector<1280x1xf32>
    %get3A_4 = arith.constant 0 : index
    %get3A_5 = arith.constant 0 : index
    %get3A_6 = arith.constant 0 : index
    %get3A_7 = vector.load %arg1[%get3A_4, %get3A_5, %get3A_6] : memref<2x1280x128xf32, #tpu.memory_space<vmem>>, vector<1x1280x128xf32>
    %get3A_8 = vector.shape_cast %get3A_7 : vector<1x1280x128xf32> to vector<1280x128xf32>
    %get3A_9 = arith.constant 1 : index
    %get3A_10 = arith.constant 0 : index
    %get3A_11 = arith.constant 0 : index
    %get3A_12 = vector.load %arg1[%get3A_9, %get3A_10, %get3A_11] : memref<2x1280x128xf32, #tpu.memory_space<vmem>>, vector<1x1280x128xf32>
    %get3A_13 = vector.shape_cast %get3A_12 : vector<1x1280x128xf32> to vector<1280x128xf32>
    %add3A_14 = arith.addf %get3A_8, %get3A_13 : vector<1280x128xf32>
    %get3A_15 = arith.constant 0 : index
    %get3A_16 = arith.constant 0 : index
    %get3A_17 = vector.load %arg2[%get3A_15, %get3A_16] : memref<1280x128xf32, #tpu.memory_space<vmem>>, vector<1280x128xf32>
    %add3A_18 = arith.addf %add3A_14, %get3A_17 : vector<1280x128xf32>
    %mul3A = vector.broadcast %rsqrt3A : vector<1280x1xf32> to vector<1280x128xf32>
    %mul3A_19 = arith.mulf %mul3A, %add3A_18 : vector<1280x128xf32>
    %get3A_20 = arith.constant 0 : index
    %get3A_21 = arith.constant 0 : index
    %get3A_22 = vector.load %arg4[%get3A_20, %get3A_21] : memref<1x128xf32, #tpu.memory_space<vmem>>, vector<1x128xf32>
    %add3A_23 = vector.broadcast %get3A_22 : vector<1x128xf32> to vector<1280x128xf32>
    %add3A_24 = arith.addf %mul3A_19, %add3A_23 : vector<1280x128xf32>
    %max3A = arith.constant 0.000000e+00 : f32
    %max3A_25 = vector.broadcast %max3A : f32 to vector<1280x128xf32>
    %max3A_26 = arith.maximumf %add3A_24, %max3A_25 : vector<1280x128xf32>
    %get3A_27 = arith.constant 0 : index
    %get3A_28 = arith.constant 0 : index
    %get3A_29 = vector.load %arg5[%get3A_27, %get3A_28] : memref<128x128xf32, #tpu.memory_space<vmem>>, vector<128x128xf32>
    %dot_general3A = arith.constant dense<0.000000e+00> : vector<1280x128xf32>
    %dot_general3A_30 = tpu.matmul %max3A_26, %get3A_29, %dot_general3A {dimension_numbers = #tpu.dot_dimension_numbers<[1], [0], [0], [1], [0, 0, 1, 1], [], []>, transpose_lhs_hint = false} : vector<1280x128xf32>, vector<128x128xf32>, vector<1280x128xf32> -> vector<1280x128xf32>
    %mul3A_31 = vector.broadcast %rsqrt3A : vector<1280x1xf32> to vector<1280x128xf32>
    %mul3A_32 = arith.mulf %dot_general3A_30, %mul3A_31 : vector<1280x128xf32>
    %swap3A = arith.constant 0 : index
    %swap3A_33 = arith.constant 0 : index
    %swap3A_34 = vector.load %arg6[%swap3A, %swap3A_33] : memref<1280x128xf32, #tpu.memory_space<vmem>>, vector<1280x128xf32>
    tpu.vector_store %arg6[%swap3A, %swap3A_33], %mul3A_32 {strides = array<i32>} : memref<1280x128xf32, #tpu.memory_space<vmem>>, vector<1280x128xf32>,
    return
  }
  func.func @transform_0(%arg0: i32) -> (i32, i32, i32) {
    %c0_i32 = arith.constant 0 : i32
    %c0_i32_0 = arith.constant 0 : i32
    %c0_i32_1 = arith.constant 0 : i32
    return %c0_i32, %arg0, %c0_i32_0 : i32, i32, i32
  }
  func.func @transform_1(%arg0: i32) -> (i32, i32) {
    %c0_i32 = arith.constant 0 : i32
    %c0_i32_0 = arith.constant 0 : i32
    return %arg0, %c0_i32 : i32, i32
  }
  func.func @transform_2(%arg0: i32) -> (i32, i32) {
    %c0_i32 = arith.constant 0 : i32
    %c0_i32_0 = arith.constant 0 : i32
    return %arg0, %c0_i32 : i32, i32
  }
  func.func @transform_3(%arg0: i32) -> (i32, i32) {
    %c0_i32 = arith.constant 0 : i32
    %c0_i32_0 = arith.constant 0 : i32
    %c0_i32_1 = arith.constant 0 : i32
    return %c0_i32, %c0_i32_0 : i32, i32
  }
  func.func @transform_4(%arg0: i32) -> (i32, i32) {
    %c0_i32 = arith.constant 0 : i32
    %c0_i32_0 = arith.constant 0 : i32
    %c0_i32_1 = arith.constant 0 : i32
    return %c0_i32, %c0_i32_0 : i32, i32
  }
  func.func @transform_5(%arg0: i32) -> (i32, i32) {
    %c0_i32 = arith.constant 0 : i32
    %c0_i32_0 = arith.constant 0 : i32
    return %arg0, %c0_i32 : i32, i32
  }
}

module attributes {stable_mosaic.version = 14 : i64} {
  func.func @_tc3_body(%arg0: i32, %arg1: memref<2x1280x128xf32, #tpu.memory_space<vmem>>, %arg2: memref<1280x128xf32, #tpu.memory_space<vmem>>, %arg3: memref<1280x1xf32, #tpu.memory_space<vmem>>, %arg4: memref<1x128xf32, #tpu.memory_space<vmem>>, %arg5: memref<1280x128xf32, #tpu.memory_space<vmem>>) attributes {dimension_semantics = [#tpu.dimension_semantics<arbitrary>], iteration_bounds = array<i64: 8>, scalar_prefetch = 0 : i64, scratch_operands = 0 : i64, tpu.core_type = #tpu.core_type<tc>, window_params = [{transform_indices = @transform_0, window_bounds = array<i64: 2, 1280, 128>}, {transform_indices = @transform_1, window_bounds = array<i64: 1280, 128>}, {transform_indices = @transform_2, window_bounds = array<i64: 1280, 1>}, {pipeline_mode = #tpu.pipeline_mode<synchronous>, transform_indices = @transform_3, window_bounds = array<i64: 1, 128>}, {transform_indices = @transform_4, window_bounds = array<i64: 1280, 128>}]} {
    %get3A = arith.constant 0 : index
    %get3A_0 = arith.constant 0 : index
    %get3A_1 = vector.load %arg3[%get3A, %get3A_0] : memref<1280x1xf32, #tpu.memory_space<vmem>>, vector<1280x1xf32>
    %add3A = arith.constant 1.000000e+00 : f32
    %add3A_2 = vector.broadcast %add3A : f32 to vector<1280x1xf32>
    %add3A_3 = arith.addf %get3A_1, %add3A_2 : vector<1280x1xf32>
    %rsqrt3A = math.rsqrt %add3A_3 : vector<1280x1xf32>
    %get3A_4 = arith.constant 0 : index
    %get3A_5 = arith.constant 0 : index
    %get3A_6 = arith.constant 0 : index
    %get3A_7 = vector.load %arg1[%get3A_4, %get3A_5, %get3A_6] : memref<2x1280x128xf32, #tpu.memory_space<vmem>>, vector<1x1280x128xf32>
    %get3A_8 = vector.shape_cast %get3A_7 : vector<1x1280x128xf32> to vector<1280x128xf32>
    %get3A_9 = arith.constant 1 : index
    %get3A_10 = arith.constant 0 : index
    %get3A_11 = arith.constant 0 : index
    %get3A_12 = vector.load %arg1[%get3A_9, %get3A_10, %get3A_11] : memref<2x1280x128xf32, #tpu.memory_space<vmem>>, vector<1x1280x128xf32>
    %get3A_13 = vector.shape_cast %get3A_12 : vector<1x1280x128xf32> to vector<1280x128xf32>
    %add3A_14 = arith.addf %get3A_8, %get3A_13 : vector<1280x128xf32>
    %get3A_15 = arith.constant 0 : index
    %get3A_16 = arith.constant 0 : index
    %get3A_17 = vector.load %arg2[%get3A_15, %get3A_16] : memref<1280x128xf32, #tpu.memory_space<vmem>>, vector<1280x128xf32>
    %add3A_18 = arith.addf %add3A_14, %get3A_17 : vector<1280x128xf32>
    %mul3A = vector.broadcast %rsqrt3A : vector<1280x1xf32> to vector<1280x128xf32>
    %mul3A_19 = arith.mulf %mul3A, %add3A_18 : vector<1280x128xf32>
    %get3A_20 = arith.constant 0 : index
    %get3A_21 = arith.constant 0 : index
    %get3A_22 = vector.load %arg4[%get3A_20, %get3A_21] : memref<1x128xf32, #tpu.memory_space<vmem>>, vector<1x128xf32>
    %add3A_23 = vector.broadcast %get3A_22 : vector<1x128xf32> to vector<1280x128xf32>
    %add3A_24 = arith.addf %mul3A_19, %add3A_23 : vector<1280x128xf32>
    %max3A = arith.constant 0.000000e+00 : f32
    %max3A_25 = vector.broadcast %max3A : f32 to vector<1280x128xf32>
    %max3A_26 = arith.maximumf %add3A_24, %max3A_25 : vector<1280x128xf32>
    %swap3A = arith.constant 0 : index
    %swap3A_27 = arith.constant 0 : index
    %swap3A_28 = vector.load %arg5[%swap3A, %swap3A_27] : memref<1280x128xf32, #tpu.memory_space<vmem>>, vector<1280x128xf32>
    tpu.vector_store %arg5[%swap3A, %swap3A_27], %max3A_26 {strides = array<i32>} : memref<1280x128xf32, #tpu.memory_space<vmem>>, vector<1280x128xf32>,
    return
  }
  func.func @transform_0(%arg0: i32) -> (i32, i32, i32) {
    %c0_i32 = arith.constant 0 : i32
    %c0_i32_0 = arith.constant 0 : i32
    %c0_i32_1 = arith.constant 0 : i32
    return %c0_i32, %arg0, %c0_i32_0 : i32, i32, i32
  }
  func.func @transform_1(%arg0: i32) -> (i32, i32) {
    %c0_i32 = arith.constant 0 : i32
    %c0_i32_0 = arith.constant 0 : i32
    return %arg0, %c0_i32 : i32, i32
  }
  func.func @transform_2(%arg0: i32) -> (i32, i32) {
    %c0_i32 = arith.constant 0 : i32
    %c0_i32_0 = arith.constant 0 : i32
    return %arg0, %c0_i32 : i32, i32
  }
  func.func @transform_3(%arg0: i32) -> (i32, i32) {
    %c0_i32 = arith.constant 0 : i32
    %c0_i32_0 = arith.constant 0 : i32
    %c0_i32_1 = arith.constant 0 : i32
    return %c0_i32, %c0_i32_0 : i32, i32
  }
  func.func @transform_4(%arg0: i32) -> (i32, i32) {
    %c0_i32 = arith.constant 0 : i32
    %c0_i32_0 = arith.constant 0 : i32
    return %arg0, %c0_i32 : i32, i32
  }
}

</mosaic_0001>

<sc_bundles>
// kernel: kernel.12.cloned.1.call-start
scs
__scs_entry_jumppad:
0x0: {  	(pc) =	sbr.rel $0x88, $3  }
0x1: {  	(tag) =	ssettag $0x0;
	lr =	simm.s32 $0x1  }
0x2: {  	[smem:$0x3F9B] =	sst lr;
	_ =	strace $0xD0000000  }
0x3: {  	_ = 	snop  }
0x4: {  	_ = 	snop  }
0x5: {  	_ = 	snop  }
0x6: {  	_ = 	snop  }
0x7: {  	_ = 	snop  }
__scs_overlays_trampoline_lowered:
0x8: {  	[smem:$0x3FAA] =	sst s0  }
0x9: {  	[smem:$0x3FAB] =	sst s1  }
0xa: {  	[smem:$0x3FAC] =	sst s2  }
0xb: {  	[smem:$0x3FAD] =	sst s3  }
0xc: {  	[smem:$0x3FAE] =	sst s4  }
0xd: {  	[smem:$0x3FAF] =	sst s5  }
0xe: {  	[smem:$0x3FB0] =	sst s6  }
0xf: {  	[smem:$0x3FB1] =	sst s7  }
0x10: {  	[smem:$0x3FB2] =	sst s8  }
0x11: {  	[smem:$0x3FB3] =	sst s9;
	s0 =	simm.s32 @!p0 $0x0  }
0x12: {  	s1 =	sld [smem:$0x3F99];
	s0 =	simm.s32 @p0 $0x1  }
0x13: {  	[smem:$0x3FB4] =	sst s0;
	s0 =	simm.s32 @!p1 $0x0  }
0x14: {  	s2 =	sld [smem:$0x3F98];
	s0 =	simm.s32 @p1 $0x1  }
0x15: {  	[smem:$0x3FB5] =	sst s0;
	s0 =	simm.s32 @!p2 $0x0  }
0x16: {  	s3 =	sld [smem:$0x3FDB];
	s0 =	simm.s32 @p2 $0x1  }
0x17: {  	s4 =	simm.s32 $0x1BF5;
	[smem:$0x3FB7] =	sst s0  }
0x18: {  	s0 =	sld [smem:$0x3F9A];
	_ =	swait.ge [sflag:s4], $0x0  }
0x19: {  	s7 =	sld [smem:$0x3F9B]  }
0x1a: {  	s8 =	sadd.s32 $0xFFFFE003, lr  }
0x1b: {  	s9 =	sadd.s32 $0xFFFFFEF7, lr;
	s5 =	simm.s32 $0xFFFFFFFF;
	p2 =	slt.u32 s8, $0xFFFFF086  }
0x1c: {  	p1 =	slt.u32 s9, $0xF7A;
	s5 =	simm.s32 @!p2 $0x0  }
0x1d: {  	s5 =	simm.s32 @p1 $0x1;
	p0 =	seq.s32 s7, s2  }
0x1e: {  	s7 =	smul.u32 @!p0 $0xF7A, s2;
	p2 =	seq.s32 @!p0 s5, $0x0  }
0x1f: {  	s9 =	smul.u32 $0xF7A, s1;
	s8 =	simm.s32 @!p0 $0x1BF5;
	p2 =	por !p2, p0  }
0x20: {  	[sflag:s8] =	ssyncset.s32 @!p0 $0xFFFFF086;
	s6 =	sadd.s32 @!p0 s3, s7;
	s7 =	simm.s32 @!p0 $0x108  }
0x21: {  	s3 =	sadd.s32 s3, s9;
	s6 =	sadd.s32 @!p0 $0x88, s6;
	s7 =	simm.s32 @p2 $0x1082  }
0x22: {  	[simem:s7], [sflag:s8] =	dma.local @!p0 [hbm:s6], $0xF7A  }
0x23: {  	s9 =	sor.u32 $0xD0000000, s2;
	s6 =	simm.s32 $0x108;
	_ =	swait.ge @!p0 [sflag:s8], $0x0  }
0x24: {  	s3 =	sadd.s32 $0x88, s3;
	s6 =	simm.s32 @!p1 $0x1082;
	[sflag:s4] =	ssyncset.s32 $0xFFFFF086  }
0x25: {  	[simem:s6], [sflag:s4] =	dma.local [hbm:s3], $0xF7A  }
0x26: {  	[smem:$0x3F9B] =	sst s1;
	(tag) =	ssettag s2;
	_ =	strace s9  }
0x27: {  	s1 =	sld [smem:$0x3FAB]  }
0x28: {  	s2 =	sld [smem:$0x3FAC]  }
0x29: {  	s4 =	sld [smem:$0x3FAE]  }
0x2a: {  	p0 =	seq.s32 s5, $0x0;
	s5 =	sld [smem:$0x3FAF]  }
0x2b: {  	s6 =	sld [smem:$0x3FB0]  }
0x2c: {  	s7 =	sld [smem:$0x3FB1]  }
0x2d: {  	s3 =	simm.s32 $0x108;
	s8 =	sld [smem:$0x3FB2]  }
0x2e: {  	s3 =	simm.s32 @!p0 $0x1082;
	s9 =	sld [smem:$0x3FB3]  }
0x2f: {  	lr =	sadd.s32 s0, s3;
	s0 =	sld [smem:$0x3FAA]  }
0x30: {  	s3 =	sld [smem:$0x3FAD]  }
0x31: {  	[smem:$0x3FB6] =	sst s10  }
0x32: {  	s10 =	sld [smem:$0x3FB4];
	_ =	sdelay $0x3  }
0x33: {  	p0 =	seq.s32 s10, $0x1;
	s10 =	sld [smem:$0x3FB6];
	_ =	sdelay $0x3  }
0x34: {  	[smem:$0x3FB6] =	sst s10  }
0x35: {  	s10 =	sld [smem:$0x3FB5];
	_ =	sdelay $0x3  }
0x36: {  	p1 =	seq.s32 s10, $0x1;
	s10 =	sld [smem:$0x3FB6];
	_ =	sdelay $0x3  }
0x37: {  	[smem:$0x3FB6] =	sst s10  }
0x38: {  	s10 =	sld [smem:$0x3FB7]  }
0x39: {  	_ = 	snop;
	(pc) =	sbr.ind lr, $3  }
0x3a: {  	_ = 	snop  }
0x3b: {  	_ = 	snop  }
0x3c: {  	p2 =	seq.s32 s10, $0x1;
	s10 =	sld [smem:$0x3FB6]  }
0x3d: {  	_ =	shalt  }
0x3e: {  	_ =	shalt  }
0x3f: {  	_ =	shalt  }
0x40: {  	_ =	shalt  }
0x41: {  	_ =	shalt  }
0x42: {  	_ =	shalt  }
0x43: {  	_ =	shalt  }
0x44: {  	_ =	shalt  }
0x45: {  	_ =	shalt  }
0x46: {  	_ =	shalt  }
0x47: {  	_ =	shalt  }
0x48: {  	_ =	shalt  }
0x49: {  	_ =	shalt  }
0x4a: {  	_ =	shalt  }
0x4b: {  	_ =	shalt  }
0x4c: {  	_ =	shalt  }
0x4d: {  	_ =	shalt  }
0x4e: {  	_ =	shalt  }
0x4f: {  	_ =	shalt  }
0x50: {  	_ =	shalt  }
0x51: {  	_ =	shalt  }
0x52: {  	_ =	shalt  }
0x53: {  	_ =	shalt  }
0x54: {  	_ =	shalt  }
0x55: {  	_ =	shalt  }
0x56: {  	_ =	shalt  }
0x57: {  	_ =	shalt  }
0x58: {  	_ =	shalt  }
0x59: {  	_ =	shalt  }
0x5a: {  	_ =	shalt  }
0x5b: {  	_ =	shalt  }
0x5c: {  	_ =	shalt  }
0x5d: {  	_ =	shalt  }
0x5e: {  	_ =	shalt  }
0x5f: {  	_ =	shalt  }
0x60: {  	_ =	shalt  }
0x61: {  	_ =	shalt  }
0x62: {  	_ =	shalt  }
0x63: {  	_ =	shalt  }
0x64: {  	_ =	shalt  }
0x65: {  	_ =	shalt  }
0x66: {  	_ =	shalt  }
0x67: {  	_ =	shalt  }
0x68: {  	_ =	shalt  }
0x69: {  	_ =	shalt  }
0x6a: {  	_ =	shalt  }
0x6b: {  	_ =	shalt  }
0x6c: {  	_ =	shalt  }
0x6d: {  	_ =	shalt  }
0x6e: {  	_ =	shalt  }
0x6f: {  	_ =	shalt  }
0x70: {  	_ =	shalt  }
0x71: {  	_ =	shalt  }
0x72: {  	_ =	shalt  }
0x73: {  	_ =	shalt  }
0x74: {  	_ =	shalt  }
0x75: {  	_ =	shalt  }
0x76: {  	_ =	shalt  }
0x77: {  	_ =	shalt  }
0x78: {  	_ =	shalt  }
0x79: {  	_ =	shalt  }
0x7a: {  	_ =	shalt  }
0x7b: {  	_ =	shalt  }
0x7c: {  	_ =	shalt  }
0x7d: {  	_ =	shalt  }
0x7e: {  	_ =	shalt  }
0x7f: {  	_ =	shalt  }
0x80: {  	_ =	shalt  }
0x81: {  	_ =	shalt  }
0x82: {  	_ =	shalt  }
0x83: {  	_ =	shalt  }
0x84: {  	_ =	shalt  }
0x85: {  	_ =	shalt  }
0x86: {  	_ =	shalt  }
0x87: {  	_ =	shalt  }
.Lfunc_end0:
.L_simem_size_0:
called_computation.1_lowered:
.L_overlay_start_0:
0x88: {  	s2 =	sld [smem:$0x3FD9]  }
0x89: {  	s3 =	sld [smem:$0x3FFE];
	_ =	sdelay $0x1  }
0x8a: {  	s1 =	srdreg.scid  }
0x8b: {  	s0 =	sand.u32 $0x1, s1  }
0x8c: {  	s17 =	sshll.u32 s0, $0xA;
	s2 =	sadd.s32 s3, s2  }
0x8d: {  	s2 =	sadd.s32 s2, s17  }
0x8e: {  	[smem:$0x3FC2] =	sst s2  }
0x8f: {  	_ = 	snop  }
0x90: {  	s2 =	sld [smem:$0x3FD0];
	(tm) =	ssettm $0x1  }
0x91: {  	s18 =	sld [smem:$0x3FFB];
	_ =	sdelay $0x3  }
0x92: {  	_ =	strace s18  }
0x93: {  	s3 =	sld [smem:$0x3FFC];
	_ =	sdelay $0x3  }
0x94: {  	_ =	strace s3  }
0x95: {  	s3 =	sld [smem:$0x3FFD];
	_ =	sdelay $0x3  }
0x96: {  	_ =	strace s3  }
0x97: {  	_ =	strace $0x8FFFFFFF  }
0x98: {  	s19 =	sld [smem:$0x3FDB];
	_ =	sdelay $0x1  }
0x99: {  	s4 =	simm.s32 $_scs_section_size  }
0x9a: {  	s5 =	simm.s32 $_size__tile_overlayer_lowered;
	s6 =	simm.s32 $_tile_overlayer_lowered  }
0x9b: {  	s22 =	simm.s32 $0x1BFF;
	s21 =	sshll.u32 s6, $0x1;
	s3 =	sadd.s32 s4, s19  }
0x9c: {  	s7 =	simm.s32 $0x0;
	s20 =	sshll.u32 s5, $0x1;
	s5 =	sadd.s32 s21, s3  }
0x9d: {  	[timem:s7], [sflag:s22] =	dma.local [hbm:s5], s20  }
0x9e: {  	_ =	swait.ge [sflag:s22], s20  }
0x9f: {  	s4 =	ssub.s32 $0x0, s20;
	[sflag:s22] =	ssyncset.done $0x0  }
0xa0: {  	[sflag:s22] =	ssyncadd.s32 s4;
	_ =	sdelay $0x1  }
0xa1: {  	s23 =	simm.s32 $0x1B8B  }
0xa2: {  	_ =	swait.ge [sflag:s23], $0x1  }
0xa3: {  	[sflag:s23] =	ssyncset.done $0x0  }
0xa4: {  	s25 =	simm.s32 $0x1B8E;
	s24 =	sld [smem:$0x3FFE];
	[sflag:s23] =	ssyncadd.s32 $0xFFFFFFFF  }
0xa5: {  	s26 =	simm.s32 $execute0_lowered;
	[smem:$0x3FD2] =	sst s25  }
0xa6: {  	s5 =	sshll.u32 s26, $0x1;
	_ =	strace $0x80000049;
	[dreg:$0x1] =	wrdreg $0xFFFFFFFF  }
0xa7: {  	s28 =	simm.s32 $_size_execute0_lowered;
	s3 =	sadd.s32 s3, s5;
	[dreg:$0x0] =	wrdreg $0x0  }
0xa8: {  	s5 =	sshll.u32 s28, $0x1;
	[dreg:$0x2] =	wrdreg s3  }
0xa9: {  	[dreg:$0x3] =	wrdreg s5  }
0xaa: {  	[dreg:$0x4] =	wrdreg $0xC0  }
0xab: {  	_ =	task [dreg:s7], $0x5FFFF  }
0xac: {  	[dreg:$0x1] =	wrdreg $0xFFFFFFFF  }
0xad: {  	[dreg:$0x0] =	wrdreg $0x60  }
0xae: {  	[dreg:$0x2] =	wrdreg s24  }
0xaf: {  	[dreg:$0x3] =	wrdreg s2  }
0xb0: {  	[dreg:$0x4] =	wrdreg $0xA8000  }
0xb1: {  	[dreg:$0x5] =	wrdreg $0x9  }
0xb2: {  	_ =	task.clear_ibuf [dreg:s7], $0x6FFFF;
	_ =	strace $0x90000049  }
0xb3: {  	s29 =	simm.s32 $0x9;
	_ =	strace $0x8000004B  }
0xb4: {  	_ =	swait.ge [sflag:s29], $0x1  }
0xb5: {  	[sflag:s29] =	ssyncadd.s32 $0xFFFFFFFF  }
0xb6: {  	_ =	strace $0x9000004B  }
0xb7: {  	_ =	sfence  }
0xb8: {  	s30 =	sld [smem:$0x0];
	_ =	sdelay $0x2  }
0xb9: {  	s31 =	sshll.u32 s1, $0xD;
	s1 =	sshrl.u32 s1, $0x2  }
0xba: {  	s3 =	sand.u32 $0x4000, s31;
	s1 =	sadd.s32 s1, s30  }
0xbb: {  	s0 =	sor.u32 s3, s0;
	s1 =	sshll.u32 s1, $0x11  }
0xbc: {  	s0 =	sor.u32 s1, s0  }
0xbd: {  	s0 =	sadd.s32 $0x8F2B, s0  }
0xbe: {  	[sflag:s0] =	ssyncadd.remote.s32 $0x1  }
0xbf: {  	_ =	sfence.sel $0xFFFF  }
0xc0: {  	[dreg:$0x0] =	wrdreg $0xFFFFFFFF;
	(pc) =	sbr.abs _section_cstart, $3  }
0xc1: {  	[dreg:$0x1] =	wrdreg $0xFFFFFFFF  }
0xc2: {  	_ =	task.clear_ibuf [dreg:s7], $0x2FFFF;
	_ =	strace $0x9FFFFFFF  }
0xc3: {  	(tm) =	ssettm $0x7FFFFFFF  }
tec
execute0_lowered:
.L_overlay_start_1:
0x0: {  	(tag) =	ssettag $0x1  }
0x1: {  	s6 =	rddreg [dreg:$0x0]  }
0x2: {  	s11 =	rddreg [dreg:$0x1]  }
0x3: {  	s2 =	rddreg [dreg:$0x2]  }
0x4: {  	s0 =	rddreg [dreg:$0x3];
	s4 =	srdreg.scid  }
0x5: {  	s1 =	stileid.u32;
	s3 =	simm.s32 $0x0;
	s15 =	simm.s32 $0x1400  }
0x6: {  	s16 =	simm.s32 $0x80;
	s17 =	simm.s32 $0x2800;
	s18 =	simm.s32 $0x6800  }
0x7: {  	s19 =	simm.s32 $0x1;
	s20 =	simm.s32 $0x2;
	s21 =	simm.s32 $0x1380  }
0x8: {  	s22 =	simm.s32 $0x2700;
	s23 =	simm.s32 $0x2780;
	s24 =	simm.s32 $0x0  }
0x9: {  	s7 =	sand.u32 $0x1, s4;
	s8 =	smul.u32 $0x14000, s1;
	[smem:$0x7FF] =	sst s3  }
0xa: {  	s4 =	sadd.s32 $0xC400, s6;
	s12 =	sadd.s32 $0x2400, s6;
	s5 =	sadd.s32 $0x34400, s6  }
0xb: {  	s10 =	sshll.u32 s1, $0x1;
	s30 =	sshll.u32 s1, $0x6;
	s9 =	smul.u32 $0x140000, s7  }
0xc: {  	_ =	strace $0x8000004A;
	s13 =	ssub.s32 $0x2, s7;
	s7 =	sor.u32 s7, s10  }
0xd: {  	s29 =	sshrl.u32 s13, $0x1;
	s10 =	smul.u32 $0x2800, s7;
	s9 =	sadd.s32 s8, s9  }
0xe: {  	s14 =	sadd.s32 s8, s2;
	s13 =	ssub.s32 s13, s29;
	s9 =	sshrl.u32 s9, $0x3  }
0xf: {  	s10 =	sshrl.u32 s10, $0x3;
	s8 =	smax.u32 s13, $0x1;
	s13 =	sshrl.u32 s14, $0x3  }
0x10: {  	s14 =	simm.s32 $0x3;
	s9 =	sadd.s32 s9, s6;
	s6 =	sor.u32 $0x1C03, s30  }
0x11: {  	s31 =	sadd.s32 $0x280, s10;
	s7 =	sadd.s32 $0x36C00, s9;
	s9 =	sadd.s32 s11, s10  }
0x12: {  	s10 =	sadd.s32 s12, s10;
	s11 =	sadd.s32 s11, s31;
	s12 =	sadd.s32 s12, s31  }
.LBB2_1:
0x13: {  	[spmem:s13], [sflag:s6] =	dma.local [hbm:s5], $0x2800  }
0x14: {  	_ =	swait.ge [sflag:s14], $0x2800  }
0x15: {  	[sflag:s14] =	ssyncset.done $0x0  }
0x16: {  	[sflag:s14] =	ssyncadd.s32 $0xFFFFD800  }
0x17: {  	[bflag:$0x0] =	sbarrier.arrive $0xFFFF  }
0x18: {  	[tilespmem:s3], [sflag:$0x3] =	stream.linear.gather [hbm4b:s9+s3], $0x1400, $0x38;
	[tilespmem:$0x1E800] =	vst v63  }
0x19: {  	_ =	swait.ge [sflag:s14], $0x1400  }
0x1a: {  	[sflag:s14] =	ssyncset.done $0x0  }
0x1b: {  	[sflag:s14] =	ssyncadd.s32 $0xFFFFEC00  }
0x1c: {  	[tilespmem:s15], [sflag:$0x3] =	stream.linear.gather [hbm4b:s10+s3], $0x1400, $0x38;
	[tilespmem:$0x1E800] =	vst v63  }
0x1d: {  	_ =	swait.ge [sflag:s14], $0x1400  }
0x1e: {  	[sflag:s14] =	ssyncset.done $0x0  }
0x1f: {  	[sflag:s14] =	ssyncadd.s32 $0xFFFFEC00  }
0x20: {  	[tilespmem:s17], [sflag:$0x1] =	stream.indirect.gather [hbm4b:s4+s16], $0x80, s3, s16, $0xb8;
	[tilespmem:$0x1E800] =	vst v63  }
0x21: {  	s25 =	simm.s32 $0x80  }
0x22: {  	[tilespmem:s18], [sflag:$0x2] =	stream.indirect.gather [hbm4b:s4+s16], $0x80, s25, s16, $0xb8;
	[tilespmem:$0x1E800] =	vst v63  }
0x23: {  	_ =	swait.ge [sflag:s19], $0x4000  }
0x24: {  	[sflag:s19] =	ssyncset.done $0x0  }
0x25: {  	s29 =	simm.s32 $0x1400;
	[sflag:s19] =	ssyncadd.s32 $0xFFFFC000  }
0x26: {  	[spmem:s2] =	stream.indirect.scatter.add.f32 [tilespmem:s17], [sflag:$0x3], $0x80, s29, s16, $0xb8;
	[tilespmem:$0x1E800] =	vst v63  }
0x27: {  	_ =	swait.ge [sflag:s14], $0x4000  }
0x28: {  	[sflag:s14] =	ssyncset.done $0x0  }
0x29: {  	s30 =	simm.s32 $0x100;
	[sflag:s14] =	ssyncadd.s32 $0xFFFFC000  }
0x2a: {  	[tilespmem:s17], [sflag:$0x1] =	stream.indirect.gather [hbm4b:s4+s16], $0x80, s30, s16, $0xb8;
	[tilespmem:$0x1E800] =	vst v63  }
0x2b: {  	_ =	swait.ge [sflag:s20], $0x4000  }
0x2c: {  	[sflag:s20] =	ssyncset.done $0x0  }
0x2d: {  	s31 =	simm.s32 $0x1480;
	[sflag:s20] =	ssyncadd.s32 $0xFFFFC000  }
0x2e: {  	[spmem:s2] =	stream.indirect.scatter.add.f32 [tilespmem:s18], [sflag:$0x3], $0x80, s31, s16, $0xb8;
	[tilespmem:$0x1E800] =	vst v63  }
0x2f: {  	_ =	swait.ge [sflag:s14], $0x4000  }
0x30: {  	s26 =	simm.s32 $0x800;
	s25 =	simm.s32 $0x100;
	[sflag:s14] =	ssyncset.done $0x0  }
.LBB2_2:
0x31: {  	s28 =	sadd.s32 $0x80, s25  }
0x32: {  	[sflag:s14] =	ssyncadd.s32 $0xFFFFC000;
	s29 =	smov.u32 s26;
	s30 =	sadd.s32 $0x400, s26  }
0x33: {  	[tilespmem:s18], [sflag:$0x2] =	stream.indirect.gather [hbm4b:s4+s16], $0x80, s28, s16, $0xb8;
	[tilespmem:$0x1E800] =	vst v63  }
0x34: {  	p0 =	sne.s32 s26, $0x4800;
	_ =	swait.ge [sflag:s19], $0x4000  }
0x35: {  	[sflag:s19] =	ssyncset.done $0x0  }
0x36: {  	s26 =	sadd.s32 $0x1400, s25;
	[sflag:s19] =	ssyncadd.s32 $0xFFFFC000  }
0x37: {  	[spmem:s2] =	stream.indirect.scatter.add.f32 [tilespmem:s17], [sflag:$0x3], $0x80, s26, s16, $0xb8;
	[tilespmem:$0x1E800] =	vst v63  }
0x38: {  	_ =	swait.ge [sflag:s14], $0x4000  }
0x39: {  	[sflag:s14] =	ssyncset.done $0x0  }
0x3a: {  	s26 =	sadd.s32 $0x100, s25;
	[sflag:s14] =	ssyncadd.s32 $0xFFFFC000  }
0x3b: {  	[tilespmem:s17], [sflag:$0x1] =	stream.indirect.gather [hbm4b:s4+s16], $0x80, s26, s16, $0xb8;
	[tilespmem:$0x1E800] =	vst v63  }
0x3c: {  	_ =	swait.ge [sflag:s20], $0x4000  }
.Ltmp0:
0x3d: {  	[sflag:s20] =	ssyncset.done $0x0;
	(pc) =	sbr.rel @p0 .LBB2_2-.Ltmp0, $4  }
0x3e: {  	s25 =	sadd.s32 $0x1480, s25;
	[sflag:s20] =	ssyncadd.s32 $0xFFFFC000  }
0x3f: {  	[spmem:s2] =	stream.indirect.scatter.add.f32 [tilespmem:s18], [sflag:$0x3], $0x80, s25, s16, $0xb8;
	[tilespmem:$0x1E800] =	vst v63  }
0x40: {  	_ =	swait.ge [sflag:s14], $0x4000  }
0x41: {  	s26 =	smov.u32 s30;
	s25 =	sshra.s32 s29, $0x2;
	[sflag:s14] =	ssyncset.done $0x0  }
0x42: {  	s26 =	sadd.s32 $0x80, s25;
	[sflag:s14] =	ssyncadd.s32 $0xFFFFC000  }
0x43: {  	[tilespmem:s18], [sflag:$0x2] =	stream.indirect.gather [hbm4b:s4+s16], $0x80, s26, s16, $0xb8;
	[tilespmem:$0x1E800] =	vst v63  }
0x44: {  	_ =	swait.ge [sflag:s19], $0x4000  }
0x45: {  	[sflag:s19] =	ssyncset.done $0x0  }
0x46: {  	s29 =	sadd.s32 $0x1400, s25;
	[sflag:s19] =	ssyncadd.s32 $0xFFFFC000  }
0x47: {  	[spmem:s2] =	stream.indirect.scatter.add.f32 [tilespmem:s17], [sflag:$0x3], $0x80, s29, s16, $0xb8;
	[tilespmem:$0x1E800] =	vst v63  }
0x48: {  	_ =	swait.ge [sflag:s14], $0x4000  }
0x49: {  	[sflag:s14] =	ssyncset.done $0x0  }
0x4a: {  	s30 =	sadd.s32 $0x100, s25;
	[sflag:s14] =	ssyncadd.s32 $0xFFFFC000  }
0x4b: {  	[tilespmem:s17], [sflag:$0x1] =	stream.indirect.gather [hbm4b:s4+s16], $0x80, s30, s16, $0xb8;
	[tilespmem:$0x1E800] =	vst v63  }
0x4c: {  	_ =	swait.ge [sflag:s20], $0x4000  }
0x4d: {  	[sflag:s20] =	ssyncset.done $0x0  }
0x4e: {  	s31 =	sadd.s32 $0x1480, s25;
	[sflag:s20] =	ssyncadd.s32 $0xFFFFC000  }
0x4f: {  	[spmem:s2] =	stream.indirect.scatter.add.f32 [tilespmem:s18], [sflag:$0x3], $0x80, s31, s16, $0xb8;
	[tilespmem:$0x1E800] =	vst v63  }
0x50: {  	_ =	swait.ge [sflag:s14], $0x4000  }
0x51: {  	[sflag:s14] =	ssyncset.done $0x0  }
0x52: {  	[sflag:s14] =	ssyncadd.s32 $0xFFFFC000  }
0x53: {  	[tilespmem:s18], [sflag:$0x2] =	stream.indirect.gather [hbm4b:s4+s16], $0x80, s21, s16, $0xb8;
	[tilespmem:$0x1E800] =	vst v63  }
0x54: {  	_ =	swait.ge [sflag:s19], $0x4000  }
0x55: {  	[sflag:s19] =	ssyncset.done $0x0  }
0x56: {  	[sflag:s19] =	ssyncadd.s32 $0xFFFFC000  }
0x57: {  	[spmem:s2] =	stream.indirect.scatter.add.f32 [tilespmem:s17], [sflag:$0x3], $0x80, s22, s16, $0xb8;
	[tilespmem:$0x1E800] =	vst v63  }
0x58: {  	_ =	swait.ge [sflag:s14], $0x4000  }
0x59: {  	[sflag:s14] =	ssyncset.done $0x0  }
0x5a: {  	[sflag:s14] =	ssyncadd.s32 $0xFFFFC000  }
0x5b: {  	_ =	swait.ge [sflag:s20], $0x4000  }
0x5c: {  	[sflag:s20] =	ssyncset.done $0x0  }
0x5d: {  	[sflag:s20] =	ssyncadd.s32 $0xFFFFC000  }
0x5e: {  	[spmem:s2] =	stream.indirect.scatter.add.f32 [tilespmem:s18], [sflag:$0x3], $0x80, s23, s16, $0xb8;
	[tilespmem:$0x1E800] =	vst v63  }
0x5f: {  	_ =	swait.ge [sflag:s14], $0x4000  }
0x60: {  	[sflag:s14] =	ssyncset.done $0x0  }
0x61: {  	s26 =	simm.s32 $0x0;
	[sflag:s14] =	ssyncadd.s32 $0xFFFFC000  }
0x62: {  	[tilespmem:s26], [sflag:$0x3] =	stream.linear.gather [hbm4b:s11+s26], $0x1400, $0x38;
	[tilespmem:$0x1E800] =	vst v63  }
0x63: {  	_ =	swait.ge [sflag:s14], $0x1400  }
0x64: {  	[sflag:s14] =	ssyncset.done $0x0  }
0x65: {  	[sflag:s14] =	ssyncadd.s32 $0xFFFFEC00  }
0x66: {  	[tilespmem:s15], [sflag:$0x3] =	stream.linear.gather [hbm4b:s12+s26], $0x1400, $0x38;
	[tilespmem:$0x1E800] =	vst v63  }
0x67: {  	_ =	swait.ge [sflag:s14], $0x1400  }
0x68: {  	[sflag:s14] =	ssyncset.done $0x0  }
0x69: {  	[sflag:s14] =	ssyncadd.s32 $0xFFFFEC00  }
0x6a: {  	[tilespmem:s17], [sflag:$0x1] =	stream.indirect.gather [hbm4b:s4+s16], $0x80, s26, s16, $0xb8;
	[tilespmem:$0x1E800] =	vst v63  }
0x6b: {  	s28 =	simm.s32 $0x80  }
0x6c: {  	[tilespmem:s18], [sflag:$0x2] =	stream.indirect.gather [hbm4b:s4+s16], $0x80, s28, s16, $0xb8;
	[tilespmem:$0x1E800] =	vst v63  }
0x6d: {  	_ =	swait.ge [sflag:s19], $0x4000  }
0x6e: {  	[sflag:s19] =	ssyncset.done $0x0  }
0x6f: {  	s29 =	simm.s32 $0x1400;
	[sflag:s19] =	ssyncadd.s32 $0xFFFFC000  }
0x70: {  	[spmem:s2] =	stream.indirect.scatter.add.f32 [tilespmem:s17], [sflag:$0x3], $0x80, s29, s16, $0xb8;
	[tilespmem:$0x1E800] =	vst v63  }
0x71: {  	_ =	swait.ge [sflag:s14], $0x4000  }
0x72: {  	[sflag:s14] =	ssyncset.done $0x0  }
0x73: {  	s30 =	simm.s32 $0x100;
	[sflag:s14] =	ssyncadd.s32 $0xFFFFC000  }
0x74: {  	[tilespmem:s17], [sflag:$0x1] =	stream.indirect.gather [hbm4b:s4+s16], $0x80, s30, s16, $0xb8;
	[tilespmem:$0x1E800] =	vst v63  }
0x75: {  	_ =	swait.ge [sflag:s20], $0x4000  }
0x76: {  	[sflag:s20] =	ssyncset.done $0x0  }
0x77: {  	s31 =	simm.s32 $0x1480;
	[sflag:s20] =	ssyncadd.s32 $0xFFFFC000  }
0x78: {  	[spmem:s2] =	stream.indirect.scatter.add.f32 [tilespmem:s18], [sflag:$0x3], $0x80, s31, s16, $0xb8;
	[tilespmem:$0x1E800] =	vst v63  }
0x79: {  	_ =	swait.ge [sflag:s14], $0x4000  }
0x7a: {  	s25 =	simm.s32 $0x100;
	s26 =	simm.s32 $0x800;
	[sflag:s14] =	ssyncset.done $0x0  }
.LBB2_4:
0x7b: {  	s28 =	sadd.s32 $0x80, s25  }
0x7c: {  	[sflag:s14] =	ssyncadd.s32 $0xFFFFC000;
	s29 =	smov.u32 s26;
	s30 =	sadd.s32 $0x400, s26  }
0x7d: {  	[tilespmem:s18], [sflag:$0x2] =	stream.indirect.gather [hbm4b:s4+s16], $0x80, s28, s16, $0xb8;
	[tilespmem:$0x1E800] =	vst v63  }
0x7e: {  	p0 =	sne.s32 s26, $0x4800;
	_ =	swait.ge [sflag:s19], $0x4000  }
0x7f: {  	[sflag:s19] =	ssyncset.done $0x0  }
0x80: {  	s26 =	sadd.s32 $0x1400, s25;
	[sflag:s19] =	ssyncadd.s32 $0xFFFFC000  }
0x81: {  	[spmem:s2] =	stream.indirect.scatter.add.f32 [tilespmem:s17], [sflag:$0x3], $0x80, s26, s16, $0xb8;
	[tilespmem:$0x1E800] =	vst v63  }
0x82: {  	_ =	swait.ge [sflag:s14], $0x4000  }
0x83: {  	[sflag:s14] =	ssyncset.done $0x0  }
0x84: {  	s26 =	sadd.s32 $0x100, s25;
	[sflag:s14] =	ssyncadd.s32 $0xFFFFC000  }
0x85: {  	[tilespmem:s17], [sflag:$0x1] =	stream.indirect.gather [hbm4b:s4+s16], $0x80, s26, s16, $0xb8;
	[tilespmem:$0x1E800] =	vst v63  }
0x86: {  	_ =	swait.ge [sflag:s20], $0x4000  }
.Ltmp1:
0x87: {  	[sflag:s20] =	ssyncset.done $0x0;
	(pc) =	sbr.rel @p0 .LBB2_4-.Ltmp1, $4  }
0x88: {  	s25 =	sadd.s32 $0x1480, s25;
	[sflag:s20] =	ssyncadd.s32 $0xFFFFC000  }
0x89: {  	[spmem:s2] =	stream.indirect.scatter.add.f32 [tilespmem:s18], [sflag:$0x3], $0x80, s25, s16, $0xb8;
	[tilespmem:$0x1E800] =	vst v63  }
0x8a: {  	_ =	swait.ge [sflag:s14], $0x4000  }
0x8b: {  	s26 =	smov.u32 s30;
	s25 =	sshra.s32 s29, $0x2;
	[sflag:s14] =	ssyncset.done $0x0  }
0x8c: {  	s26 =	sadd.s32 $0x80, s25;
	[sflag:s14] =	ssyncadd.s32 $0xFFFFC000  }
0x8d: {  	[tilespmem:s18], [sflag:$0x2] =	stream.indirect.gather [hbm4b:s4+s16], $0x80, s26, s16, $0xb8;
	[tilespmem:$0x1E800] =	vst v63  }
0x8e: {  	_ =	swait.ge [sflag:s19], $0x4000  }
0x8f: {  	[sflag:s19] =	ssyncset.done $0x0  }
0x90: {  	s29 =	sadd.s32 $0x1400, s25;
	[sflag:s19] =	ssyncadd.s32 $0xFFFFC000  }
0x91: {  	[spmem:s2] =	stream.indirect.scatter.add.f32 [tilespmem:s17], [sflag:$0x3], $0x80, s29, s16, $0xb8;
	[tilespmem:$0x1E800] =	vst v63  }
0x92: {  	_ =	swait.ge [sflag:s14], $0x4000  }
0x93: {  	[sflag:s14] =	ssyncset.done $0x0  }
0x94: {  	s30 =	sadd.s32 $0x100, s25;
	[sflag:s14] =	ssyncadd.s32 $0xFFFFC000  }
0x95: {  	[tilespmem:s17], [sflag:$0x1] =	stream.indirect.gather [hbm4b:s4+s16], $0x80, s30, s16, $0xb8;
	[tilespmem:$0x1E800] =	vst v63  }
0x96: {  	_ =	swait.ge [sflag:s20], $0x4000  }
0x97: {  	[sflag:s20] =	ssyncset.done $0x0  }
0x98: {  	s31 =	sadd.s32 $0x1480, s25;
	[sflag:s20] =	ssyncadd.s32 $0xFFFFC000  }
0x99: {  	[spmem:s2] =	stream.indirect.scatter.add.f32 [tilespmem:s18], [sflag:$0x3], $0x80, s31, s16, $0xb8;
	[tilespmem:$0x1E800] =	vst v63  }
0x9a: {  	_ =	swait.ge [sflag:s14], $0x4000  }
0x9b: {  	[sflag:s14] =	ssyncset.done $0x0  }
0x9c: {  	[sflag:s14] =	ssyncadd.s32 $0xFFFFC000  }
0x9d: {  	[tilespmem:s18], [sflag:$0x2] =	stream.indirect.gather [hbm4b:s4+s16], $0x80, s21, s16, $0xb8;
	[tilespmem:$0x1E800] =	vst v63  }
0x9e: {  	_ =	swait.ge [sflag:s19], $0x4000  }
0x9f: {  	[sflag:s19] =	ssyncset.done $0x0  }
0xa0: {  	[sflag:s19] =	ssyncadd.s32 $0xFFFFC000  }
0xa1: {  	[spmem:s2] =	stream.indirect.scatter.add.f32 [tilespmem:s17], [sflag:$0x3], $0x80, s22, s16, $0xb8;
	[tilespmem:$0x1E800] =	vst v63  }
0xa2: {  	_ =	swait.ge [sflag:s14], $0x4000  }
0xa3: {  	[sflag:s14] =	ssyncset.done $0x0  }
0xa4: {  	[sflag:s14] =	ssyncadd.s32 $0xFFFFC000  }
0xa5: {  	_ =	swait.ge [sflag:s20], $0x4000  }
0xa6: {  	[sflag:s20] =	ssyncset.done $0x0  }
0xa7: {  	[sflag:s20] =	ssyncadd.s32 $0xFFFFC000  }
0xa8: {  	[spmem:s2] =	stream.indirect.scatter.add.f32 [tilespmem:s18], [sflag:$0x3], $0x80, s23, s16, $0xb8;
	[tilespmem:$0x1E800] =	vst v63  }
0xa9: {  	_ =	swait.ge [sflag:s14], $0x4000  }
0xaa: {  	s24 =	sadd.s32 $0x1, s24;
	[sflag:s14] =	ssyncset.done $0x0  }
0xab: {  	p0 =	sne.s32 s24, s8;
	[sflag:s14] =	ssyncadd.s32 $0xFFFFC000  }
.Ltmp2:
0xac: {  	[bflag:$0x0] =	sbarrier.arrive $0xFFFF;
	(pc) =	sbr.rel @p0 .LBB2_1-.Ltmp2, $4  }
0xad: {  	[hbm:s7], [sflag:s6] =	dma.local [spmem:s13], $0x2800  }
0xae: {  	_ =	swait.ge [sflag:s14], $0x2800  }
0xaf: {  	[sflag:s14] =	ssyncset.done $0x0  }
0xb0: {  	[sflag:s14] =	ssyncadd.s32 $0xFFFFD800  }
0xb1: {  	_ =	sfence.sel $0x180000  }
0xb2: {  	[bflag:$0x0] =	sbarrier.arrive $0xFFFF  }
0xb3: {  	p0 =	sne.s32 s1, $0x0;
	_ =	strace $0x9000004A  }
0xb4: {  	s0 =	sadd.s32 @!p0 $0x100000, s0;
	[bflag:$0x2] =	sbarrier.arrive $0xFFFF  }
0xb5: {  	[sflag:s0] =	ssyncadd.tile.s32 @!p0 $0x1;
	_ =	shalt  }
.Lfunc_end2:
_tile_overlayer_lowered:
.L_overlay_start_2:
0xb6: {  	(tag) =	ssettag $0x2  }
0xb7: {  	s0 =	rddreg [dreg:$0x0];
	s2 =	stileid.u32  }
0xb8: {  	s1 =	rddreg [dreg:$0x1];
	p0 =	sne.s32 s2, $0x0  }
0xb9: {  	s3 =	rddreg [dreg:$0x2];
	[bflag:$0x3] =	sbarrier.arrive $0xFFFF;
	s2 =	simm.s32 @!p0 $0x1C03  }
0xba: {  	[timem:s3], [sflag:s2] =	dma.local @!p0 [hbm:s0], s1  }
0xbb: {  	s0 =	simm.s32 @!p0 $0x3  }
0xbc: {  	_ =	swait.ge @!p0 [sflag:s0], s1  }
0xbd: {  	s1 =	ssub.s32 @!p0 $0x0, s1;
	[sflag:s0] =	ssyncset.done @!p0 $0x0  }
0xbe: {  	[sflag:s0] =	ssyncadd.s32 @!p0 s1  }
0xbf: {  	[bflag:$0x3] =	sbarrier.arrive $0xFFFF  }
0xc0: {  	_ =	shalt  }

// kernel: kernel.15.cloned.1.call-start
scs
__scs_entry_jumppad:
0x0: {  	(pc) =	sbr.rel $0x88, $3  }
0x1: {  	(tag) =	ssettag $0x0;
	lr =	simm.s32 $0x1  }
0x2: {  	[smem:$0x3F9B] =	sst lr;
	_ =	strace $0xD0000000  }
0x3: {  	_ = 	snop  }
0x4: {  	_ = 	snop  }
0x5: {  	_ = 	snop  }
0x6: {  	_ = 	snop  }
0x7: {  	_ = 	snop  }
__scs_overlays_trampoline_lowered:
0x8: {  	[smem:$0x3FAA] =	sst s0  }
0x9: {  	[smem:$0x3FAB] =	sst s1  }
0xa: {  	[smem:$0x3FAC] =	sst s2  }
0xb: {  	[smem:$0x3FAD] =	sst s3  }
0xc: {  	[smem:$0x3FAE] =	sst s4  }
0xd: {  	[smem:$0x3FAF] =	sst s5  }
0xe: {  	[smem:$0x3FB0] =	sst s6  }
0xf: {  	[smem:$0x3FB1] =	sst s7  }
0x10: {  	[smem:$0x3FB2] =	sst s8  }
0x11: {  	[smem:$0x3FB3] =	sst s9;
	s0 =	simm.s32 @!p0 $0x0  }
0x12: {  	s1 =	sld [smem:$0x3F99];
	s0 =	simm.s32 @p0 $0x1  }
0x13: {  	[smem:$0x3FB4] =	sst s0;
	s0 =	simm.s32 @!p1 $0x0  }
0x14: {  	s2 =	sld [smem:$0x3F98];
	s0 =	simm.s32 @p1 $0x1  }
0x15: {  	[smem:$0x3FB5] =	sst s0;
	s0 =	simm.s32 @!p2 $0x0  }
0x16: {  	s3 =	sld [smem:$0x3FDB];
	s0 =	simm.s32 @p2 $0x1  }
0x17: {  	s4 =	simm.s32 $0x1BF5;
	[smem:$0x3FB7] =	sst s0  }
0x18: {  	s0 =	sld [smem:$0x3F9A];
	_ =	swait.ge [sflag:s4], $0x0  }
0x19: {  	s7 =	sld [smem:$0x3F9B]  }
0x1a: {  	s8 =	sadd.s32 $0xFFFFE003, lr  }
0x1b: {  	s9 =	sadd.s32 $0xFFFFFEF7, lr;
	s5 =	simm.s32 $0xFFFFFFFF;
	p2 =	slt.u32 s8, $0xFFFFF086  }
0x1c: {  	p1 =	slt.u32 s9, $0xF7A;
	s5 =	simm.s32 @!p2 $0x0  }
0x1d: {  	s5 =	simm.s32 @p1 $0x1;
	p0 =	seq.s32 s7, s2  }
0x1e: {  	s7 =	smul.u32 @!p0 $0xF7A, s2;
	p2 =	seq.s32 @!p0 s5, $0x0  }
0x1f: {  	s9 =	smul.u32 $0xF7A, s1;
	s8 =	simm.s32 @!p0 $0x1BF5;
	p2 =	por !p2, p0  }
0x20: {  	[sflag:s8] =	ssyncset.s32 @!p0 $0xFFFFF086;
	s6 =	sadd.s32 @!p0 s3, s7;
	s7 =	simm.s32 @!p0 $0x108  }
0x21: {  	s3 =	sadd.s32 s3, s9;
	s6 =	sadd.s32 @!p0 $0x88, s6;
	s7 =	simm.s32 @p2 $0x1082  }
0x22: {  	[simem:s7], [sflag:s8] =	dma.local @!p0 [hbm:s6], $0xF7A  }
0x23: {  	s9 =	sor.u32 $0xD0000000, s2;
	s6 =	simm.s32 $0x108;
	_ =	swait.ge @!p0 [sflag:s8], $0x0  }
0x24: {  	s3 =	sadd.s32 $0x88, s3;
	s6 =	simm.s32 @!p1 $0x1082;
	[sflag:s4] =	ssyncset.s32 $0xFFFFF086  }
0x25: {  	[simem:s6], [sflag:s4] =	dma.local [hbm:s3], $0xF7A  }
0x26: {  	[smem:$0x3F9B] =	sst s1;
	(tag) =	ssettag s2;
	_ =	strace s9  }
0x27: {  	s1 =	sld [smem:$0x3FAB]  }
0x28: {  	s2 =	sld [smem:$0x3FAC]  }
0x29: {  	s4 =	sld [smem:$0x3FAE]  }
0x2a: {  	p0 =	seq.s32 s5, $0x0;
	s5 =	sld [smem:$0x3FAF]  }
0x2b: {  	s6 =	sld [smem:$0x3FB0]  }
0x2c: {  	s7 =	sld [smem:$0x3FB1]  }
0x2d: {  	s3 =	simm.s32 $0x108;
	s8 =	sld [smem:$0x3FB2]  }
0x2e: {  	s3 =	simm.s32 @!p0 $0x1082;
	s9 =	sld [smem:$0x3FB3]  }
0x2f: {  	lr =	sadd.s32 s0, s3;
	s0 =	sld [smem:$0x3FAA]  }
0x30: {  	s3 =	sld [smem:$0x3FAD]  }
0x31: {  	[smem:$0x3FB6] =	sst s10  }
0x32: {  	s10 =	sld [smem:$0x3FB4];
	_ =	sdelay $0x3  }
0x33: {  	p0 =	seq.s32 s10, $0x1;
	s10 =	sld [smem:$0x3FB6];
	_ =	sdelay $0x3  }
0x34: {  	[smem:$0x3FB6] =	sst s10  }
0x35: {  	s10 =	sld [smem:$0x3FB5];
	_ =	sdelay $0x3  }
0x36: {  	p1 =	seq.s32 s10, $0x1;
	s10 =	sld [smem:$0x3FB6];
	_ =	sdelay $0x3  }
0x37: {  	[smem:$0x3FB6] =	sst s10  }
0x38: {  	s10 =	sld [smem:$0x3FB7]  }
0x39: {  	_ = 	snop;
	(pc) =	sbr.ind lr, $3  }
0x3a: {  	_ = 	snop  }
0x3b: {  	_ = 	snop  }
0x3c: {  	p2 =	seq.s32 s10, $0x1;
	s10 =	sld [smem:$0x3FB6]  }
0x3d: {  	_ =	shalt  }
0x3e: {  	_ =	shalt  }
0x3f: {  	_ =	shalt  }
0x40: {  	_ =	shalt  }
0x41: {  	_ =	shalt  }
0x42: {  	_ =	shalt  }
0x43: {  	_ =	shalt  }
0x44: {  	_ =	shalt  }
0x45: {  	_ =	shalt  }
0x46: {  	_ =	shalt  }
0x47: {  	_ =	shalt  }
0x48: {  	_ =	shalt  }
0x49: {  	_ =	shalt  }
0x4a: {  	_ =	shalt  }
0x4b: {  	_ =	shalt  }
0x4c: {  	_ =	shalt  }
0x4d: {  	_ =	shalt  }
0x4e: {  	_ =	shalt  }
0x4f: {  	_ =	shalt  }
0x50: {  	_ =	shalt  }
0x51: {  	_ =	shalt  }
0x52: {  	_ =	shalt  }
0x53: {  	_ =	shalt  }
0x54: {  	_ =	shalt  }
0x55: {  	_ =	shalt  }
0x56: {  	_ =	shalt  }
0x57: {  	_ =	shalt  }
0x58: {  	_ =	shalt  }
0x59: {  	_ =	shalt  }
0x5a: {  	_ =	shalt  }
0x5b: {  	_ =	shalt  }
0x5c: {  	_ =	shalt  }
0x5d: {  	_ =	shalt  }
0x5e: {  	_ =	shalt  }
0x5f: {  	_ =	shalt  }
0x60: {  	_ =	shalt  }
0x61: {  	_ =	shalt  }
0x62: {  	_ =	shalt  }
0x63: {  	_ =	shalt  }
0x64: {  	_ =	shalt  }
0x65: {  	_ =	shalt  }
0x66: {  	_ =	shalt  }
0x67: {  	_ =	shalt  }
0x68: {  	_ =	shalt  }
0x69: {  	_ =	shalt  }
0x6a: {  	_ =	shalt  }
0x6b: {  	_ =	shalt  }
0x6c: {  	_ =	shalt  }
0x6d: {  	_ =	shalt  }
0x6e: {  	_ =	shalt  }
0x6f: {  	_ =	shalt  }
0x70: {  	_ =	shalt  }
0x71: {  	_ =	shalt  }
0x72: {  	_ =	shalt  }
0x73: {  	_ =	shalt  }
0x74: {  	_ =	shalt  }
0x75: {  	_ =	shalt  }
0x76: {  	_ =	shalt  }
0x77: {  	_ =	shalt  }
0x78: {  	_ =	shalt  }
0x79: {  	_ =	shalt  }
0x7a: {  	_ =	shalt  }
0x7b: {  	_ =	shalt  }
0x7c: {  	_ =	shalt  }
0x7d: {  	_ =	shalt  }
0x7e: {  	_ =	shalt  }
0x7f: {  	_ =	shalt  }
0x80: {  	_ =	shalt  }
0x81: {  	_ =	shalt  }
0x82: {  	_ =	shalt  }
0x83: {  	_ =	shalt  }
0x84: {  	_ =	shalt  }
0x85: {  	_ =	shalt  }
0x86: {  	_ =	shalt  }
0x87: {  	_ =	shalt  }
.Lfunc_end0:
.L_simem_size_0:
called_computation.2_lowered:
.L_overlay_start_0:
0x88: {  	s2 =	sld [smem:$0x3FD9]  }
0x89: {  	s3 =	sld [smem:$0x3FFE];
	_ =	sdelay $0x1  }
0x8a: {  	s1 =	srdreg.scid  }
0x8b: {  	s0 =	sand.u32 $0x1, s1  }
0x8c: {  	s17 =	sshll.u32 s0, $0xA;
	s2 =	sadd.s32 s3, s2  }
0x8d: {  	s2 =	sadd.s32 s2, s17  }
0x8e: {  	[smem:$0x3FC2] =	sst s2  }
0x8f: {  	_ = 	snop  }
0x90: {  	s2 =	sld [smem:$0x3FD0];
	(tm) =	ssettm $0x1  }
0x91: {  	s18 =	sld [smem:$0x3FFB];
	_ =	sdelay $0x3  }
0x92: {  	_ =	strace s18  }
0x93: {  	s3 =	sld [smem:$0x3FFC];
	_ =	sdelay $0x3  }
0x94: {  	_ =	strace s3  }
0x95: {  	s3 =	sld [smem:$0x3FFD];
	_ =	sdelay $0x3  }
0x96: {  	_ =	strace s3  }
0x97: {  	_ =	strace $0x8FFFFFFF  }
0x98: {  	s19 =	sld [smem:$0x3FDB];
	_ =	sdelay $0x1  }
0x99: {  	s4 =	simm.s32 $_scs_section_size  }
0x9a: {  	s5 =	simm.s32 $_size__tile_overlayer_lowered;
	s6 =	simm.s32 $_tile_overlayer_lowered  }
0x9b: {  	s22 =	simm.s32 $0x1BFF;
	s21 =	sshll.u32 s6, $0x1;
	s3 =	sadd.s32 s4, s19  }
0x9c: {  	s7 =	simm.s32 $0x0;
	s20 =	sshll.u32 s5, $0x1;
	s5 =	sadd.s32 s21, s3  }
0x9d: {  	[timem:s7], [sflag:s22] =	dma.local [hbm:s5], s20  }
0x9e: {  	_ =	swait.ge [sflag:s22], s20  }
0x9f: {  	s4 =	ssub.s32 $0x0, s20;
	[sflag:s22] =	ssyncset.done $0x0  }
0xa0: {  	[sflag:s22] =	ssyncadd.s32 s4;
	_ =	sdelay $0x1  }
0xa1: {  	s23 =	simm.s32 $0x1B8B  }
0xa2: {  	_ =	swait.ge [sflag:s23], $0x1  }
0xa3: {  	[sflag:s23] =	ssyncset.done $0x0  }
0xa4: {  	s25 =	simm.s32 $0x1B8E;
	s24 =	sld [smem:$0x3FFE];
	[sflag:s23] =	ssyncadd.s32 $0xFFFFFFFF  }
0xa5: {  	s26 =	simm.s32 $execute0_lowered;
	[smem:$0x3FD2] =	sst s25  }
0xa6: {  	s5 =	sshll.u32 s26, $0x1;
	_ =	strace $0x8000004C;
	[dreg:$0x1] =	wrdreg $0xFFFFFFFF  }
0xa7: {  	s28 =	simm.s32 $_size_execute0_lowered;
	s3 =	sadd.s32 s3, s5;
	[dreg:$0x0] =	wrdreg $0x0  }
0xa8: {  	s5 =	sshll.u32 s28, $0x1;
	[dreg:$0x2] =	wrdreg s3  }
0xa9: {  	[dreg:$0x3] =	wrdreg s5  }
0xaa: {  	[dreg:$0x4] =	wrdreg $0xC0  }
0xab: {  	_ =	task [dreg:s7], $0x5FFFF  }
0xac: {  	[dreg:$0x1] =	wrdreg $0xFFFFFFFF  }
0xad: {  	[dreg:$0x0] =	wrdreg $0x60  }
0xae: {  	[dreg:$0x2] =	wrdreg s24  }
0xaf: {  	[dreg:$0x3] =	wrdreg s2  }
0xb0: {  	[dreg:$0x4] =	wrdreg $0xA8000  }
0xb1: {  	[dreg:$0x5] =	wrdreg $0x9  }
0xb2: {  	_ =	task.clear_ibuf [dreg:s7], $0x6FFFF;
	_ =	strace $0x9000004C  }
0xb3: {  	s29 =	simm.s32 $0x9;
	_ =	strace $0x8000004E  }
0xb4: {  	_ =	swait.ge [sflag:s29], $0x1  }
0xb5: {  	[sflag:s29] =	ssyncadd.s32 $0xFFFFFFFF  }
0xb6: {  	_ =	strace $0x9000004E  }
0xb7: {  	_ =	sfence  }
0xb8: {  	s30 =	sld [smem:$0x0];
	_ =	sdelay $0x2  }
0xb9: {  	s31 =	sshll.u32 s1, $0xD;
	s1 =	sshrl.u32 s1, $0x2  }
0xba: {  	s3 =	sand.u32 $0x4000, s31;
	s1 =	sadd.s32 s1, s30  }
0xbb: {  	s0 =	sor.u32 s3, s0;
	s1 =	sshll.u32 s1, $0x11  }
0xbc: {  	s0 =	sor.u32 s1, s0  }
0xbd: {  	s0 =	sadd.s32 $0x8F2B, s0  }
0xbe: {  	[sflag:s0] =	ssyncadd.remote.s32 $0x1  }
0xbf: {  	_ =	sfence.sel $0xFFFF  }
0xc0: {  	[dreg:$0x0] =	wrdreg $0xFFFFFFFF;
	(pc) =	sbr.abs _section_cstart, $3  }
0xc1: {  	[dreg:$0x1] =	wrdreg $0xFFFFFFFF  }
0xc2: {  	_ =	task.clear_ibuf [dreg:s7], $0x2FFFF;
	_ =	strace $0x9FFFFFFF  }
0xc3: {  	(tm) =	ssettm $0x7FFFFFFF  }
tec
execute0_lowered:
.L_overlay_start_1:
0x0: {  	(tag) =	ssettag $0x1  }
0x1: {  	s6 =	rddreg [dreg:$0x0]  }
0x2: {  	s11 =	rddreg [dreg:$0x1]  }
0x3: {  	s2 =	rddreg [dreg:$0x2]  }
0x4: {  	s0 =	rddreg [dreg:$0x3];
	s4 =	srdreg.scid  }
0x5: {  	s1 =	stileid.u32;
	s3 =	simm.s32 $0x0;
	s15 =	simm.s32 $0x1400  }
0x6: {  	s16 =	simm.s32 $0x80;
	s17 =	simm.s32 $0x2800;
	s18 =	simm.s32 $0x6800  }
0x7: {  	s19 =	simm.s32 $0x1;
	s20 =	simm.s32 $0x2;
	s21 =	simm.s32 $0x1380  }
0x8: {  	s22 =	simm.s32 $0x2700;
	s23 =	simm.s32 $0x2780;
	s24 =	simm.s32 $0x0  }
0x9: {  	s7 =	sand.u32 $0x1, s4;
	s8 =	smul.u32 $0x14000, s1;
	[smem:$0x7FF] =	sst s3  }
0xa: {  	s4 =	sadd.s32 $0xC400, s6;
	s12 =	sadd.s32 $0x2400, s6;
	s5 =	sadd.s32 $0x34400, s6  }
0xb: {  	s10 =	sshll.u32 s1, $0x1;
	s30 =	sshll.u32 s1, $0x6;
	s9 =	smul.u32 $0x140000, s7  }
0xc: {  	_ =	strace $0x8000004D;
	s13 =	ssub.s32 $0x2, s7;
	s7 =	sor.u32 s7, s10  }
0xd: {  	s29 =	sshrl.u32 s13, $0x1;
	s10 =	smul.u32 $0x2800, s7;
	s9 =	sadd.s32 s8, s9  }
0xe: {  	s14 =	sadd.s32 s8, s2;
	s13 =	ssub.s32 s13, s29;
	s9 =	sshrl.u32 s9, $0x3  }
0xf: {  	s10 =	sshrl.u32 s10, $0x3;
	s8 =	smax.u32 s13, $0x1;
	s13 =	sshrl.u32 s14, $0x3  }
0x10: {  	s14 =	simm.s32 $0x3;
	s9 =	sadd.s32 s9, s6;
	s6 =	sor.u32 $0x1C03, s30  }
0x11: {  	s31 =	sadd.s32 $0x280, s10;
	s7 =	sadd.s32 $0x36C00, s9;
	s9 =	sadd.s32 s11, s10  }
0x12: {  	s10 =	sadd.s32 s12, s10;
	s11 =	sadd.s32 s11, s31;
	s12 =	sadd.s32 s12, s31  }
.LBB2_1:
0x13: {  	[spmem:s13], [sflag:s6] =	dma.local [hbm:s5], $0x2800  }
0x14: {  	_ =	swait.ge [sflag:s14], $0x2800  }
0x15: {  	[sflag:s14] =	ssyncset.done $0x0  }
0x16: {  	[sflag:s14] =	ssyncadd.s32 $0xFFFFD800  }
0x17: {  	[bflag:$0x0] =	sbarrier.arrive $0xFFFF  }
0x18: {  	[tilespmem:s3], [sflag:$0x3] =	stream.linear.gather [hbm4b:s9+s3], $0x1400, $0x38;
	[tilespmem:$0x1E800] =	vst v63  }
0x19: {  	_ =	swait.ge [sflag:s14], $0x1400  }
0x1a: {  	[sflag:s14] =	ssyncset.done $0x0  }
0x1b: {  	[sflag:s14] =	ssyncadd.s32 $0xFFFFEC00  }
0x1c: {  	[tilespmem:s15], [sflag:$0x3] =	stream.linear.gather [hbm4b:s10+s3], $0x1400, $0x38;
	[tilespmem:$0x1E800] =	vst v63  }
0x1d: {  	_ =	swait.ge [sflag:s14], $0x1400  }
0x1e: {  	[sflag:s14] =	ssyncset.done $0x0  }
0x1f: {  	[sflag:s14] =	ssyncadd.s32 $0xFFFFEC00  }
0x20: {  	[tilespmem:s17], [sflag:$0x1] =	stream.indirect.gather [hbm4b:s4+s16], $0x80, s3, s16, $0xb8;
	[tilespmem:$0x1E800] =	vst v63  }
0x21: {  	s25 =	simm.s32 $0x80  }
0x22: {  	[tilespmem:s18], [sflag:$0x2] =	stream.indirect.gather [hbm4b:s4+s16], $0x80, s25, s16, $0xb8;
	[tilespmem:$0x1E800] =	vst v63  }
0x23: {  	_ =	swait.ge [sflag:s19], $0x4000  }
0x24: {  	[sflag:s19] =	ssyncset.done $0x0  }
0x25: {  	s29 =	simm.s32 $0x1400;
	[sflag:s19] =	ssyncadd.s32 $0xFFFFC000  }
0x26: {  	[spmem:s2] =	stream.indirect.scatter.add.f32 [tilespmem:s17], [sflag:$0x3], $0x80, s29, s16, $0xb8;
	[tilespmem:$0x1E800] =	vst v63  }
0x27: {  	_ =	swait.ge [sflag:s14], $0x4000  }
0x28: {  	[sflag:s14] =	ssyncset.done $0x0  }
0x29: {  	s30 =	simm.s32 $0x100;
	[sflag:s14] =	ssyncadd.s32 $0xFFFFC000  }
0x2a: {  	[tilespmem:s17], [sflag:$0x1] =	stream.indirect.gather [hbm4b:s4+s16], $0x80, s30, s16, $0xb8;
	[tilespmem:$0x1E800] =	vst v63  }
0x2b: {  	_ =	swait.ge [sflag:s20], $0x4000  }
0x2c: {  	[sflag:s20] =	ssyncset.done $0x0  }
0x2d: {  	s31 =	simm.s32 $0x1480;
	[sflag:s20] =	ssyncadd.s32 $0xFFFFC000  }
0x2e: {  	[spmem:s2] =	stream.indirect.scatter.add.f32 [tilespmem:s18], [sflag:$0x3], $0x80, s31, s16, $0xb8;
	[tilespmem:$0x1E800] =	vst v63  }
0x2f: {  	_ =	swait.ge [sflag:s14], $0x4000  }
0x30: {  	s26 =	simm.s32 $0x800;
	s25 =	simm.s32 $0x100;
	[sflag:s14] =	ssyncset.done $0x0  }
.LBB2_2:
0x31: {  	s28 =	sadd.s32 $0x80, s25  }
0x32: {  	[sflag:s14] =	ssyncadd.s32 $0xFFFFC000;
	s29 =	smov.u32 s26;
	s30 =	sadd.s32 $0x400, s26  }
0x33: {  	[tilespmem:s18], [sflag:$0x2] =	stream.indirect.gather [hbm4b:s4+s16], $0x80, s28, s16, $0xb8;
	[tilespmem:$0x1E800] =	vst v63  }
0x34: {  	p0 =	sne.s32 s26, $0x4800;
	_ =	swait.ge [sflag:s19], $0x4000  }
0x35: {  	[sflag:s19] =	ssyncset.done $0x0  }
0x36: {  	s26 =	sadd.s32 $0x1400, s25;
	[sflag:s19] =	ssyncadd.s32 $0xFFFFC000  }
0x37: {  	[spmem:s2] =	stream.indirect.scatter.add.f32 [tilespmem:s17], [sflag:$0x3], $0x80, s26, s16, $0xb8;
	[tilespmem:$0x1E800] =	vst v63  }
0x38: {  	_ =	swait.ge [sflag:s14], $0x4000  }
0x39: {  	[sflag:s14] =	ssyncset.done $0x0  }
0x3a: {  	s26 =	sadd.s32 $0x100, s25;
	[sflag:s14] =	ssyncadd.s32 $0xFFFFC000  }
0x3b: {  	[tilespmem:s17], [sflag:$0x1] =	stream.indirect.gather [hbm4b:s4+s16], $0x80, s26, s16, $0xb8;
	[tilespmem:$0x1E800] =	vst v63  }
0x3c: {  	_ =	swait.ge [sflag:s20], $0x4000  }
.Ltmp0:
0x3d: {  	[sflag:s20] =	ssyncset.done $0x0;
	(pc) =	sbr.rel @p0 .LBB2_2-.Ltmp0, $4  }
0x3e: {  	s25 =	sadd.s32 $0x1480, s25;
	[sflag:s20] =	ssyncadd.s32 $0xFFFFC000  }
0x3f: {  	[spmem:s2] =	stream.indirect.scatter.add.f32 [tilespmem:s18], [sflag:$0x3], $0x80, s25, s16, $0xb8;
	[tilespmem:$0x1E800] =	vst v63  }
0x40: {  	_ =	swait.ge [sflag:s14], $0x4000  }
0x41: {  	s26 =	smov.u32 s30;
	s25 =	sshra.s32 s29, $0x2;
	[sflag:s14] =	ssyncset.done $0x0  }
0x42: {  	s26 =	sadd.s32 $0x80, s25;
	[sflag:s14] =	ssyncadd.s32 $0xFFFFC000  }
0x43: {  	[tilespmem:s18], [sflag:$0x2] =	stream.indirect.gather [hbm4b:s4+s16], $0x80, s26, s16, $0xb8;
	[tilespmem:$0x1E800] =	vst v63  }
0x44: {  	_ =	swait.ge [sflag:s19], $0x4000  }
0x45: {  	[sflag:s19] =	ssyncset.done $0x0  }
0x46: {  	s29 =	sadd.s32 $0x1400, s25;
	[sflag:s19] =	ssyncadd.s32 $0xFFFFC000  }
0x47: {  	[spmem:s2] =	stream.indirect.scatter.add.f32 [tilespmem:s17], [sflag:$0x3], $0x80, s29, s16, $0xb8;
	[tilespmem:$0x1E800] =	vst v63  }
0x48: {  	_ =	swait.ge [sflag:s14], $0x4000  }
0x49: {  	[sflag:s14] =	ssyncset.done $0x0  }
0x4a: {  	s30 =	sadd.s32 $0x100, s25;
	[sflag:s14] =	ssyncadd.s32 $0xFFFFC000  }
0x4b: {  	[tilespmem:s17], [sflag:$0x1] =	stream.indirect.gather [hbm4b:s4+s16], $0x80, s30, s16, $0xb8;
	[tilespmem:$0x1E800] =	vst v63  }
0x4c: {  	_ =	swait.ge [sflag:s20], $0x4000  }
0x4d: {  	[sflag:s20] =	ssyncset.done $0x0  }
0x4e: {  	s31 =	sadd.s32 $0x1480, s25;
	[sflag:s20] =	ssyncadd.s32 $0xFFFFC000  }
0x4f: {  	[spmem:s2] =	stream.indirect.scatter.add.f32 [tilespmem:s18], [sflag:$0x3], $0x80, s31, s16, $0xb8;
	[tilespmem:$0x1E800] =	vst v63  }
0x50: {  	_ =	swait.ge [sflag:s14], $0x4000  }
0x51: {  	[sflag:s14] =	ssyncset.done $0x0  }
0x52: {  	[sflag:s14] =	ssyncadd.s32 $0xFFFFC000  }
0x53: {  	[tilespmem:s18], [sflag:$0x2] =	stream.indirect.gather [hbm4b:s4+s16], $0x80, s21, s16, $0xb8;
	[tilespmem:$0x1E800] =	vst v63  }
0x54: {  	_ =	swait.ge [sflag:s19], $0x4000  }
0x55: {  	[sflag:s19] =	ssyncset.done $0x0  }
0x56: {  	[sflag:s19] =	ssyncadd.s32 $0xFFFFC000  }
0x57: {  	[spmem:s2] =	stream.indirect.scatter.add.f32 [tilespmem:s17], [sflag:$0x3], $0x80, s22, s16, $0xb8;
	[tilespmem:$0x1E800] =	vst v63  }
0x58: {  	_ =	swait.ge [sflag:s14], $0x4000  }
0x59: {  	[sflag:s14] =	ssyncset.done $0x0  }
0x5a: {  	[sflag:s14] =	ssyncadd.s32 $0xFFFFC000  }
0x5b: {  	_ =	swait.ge [sflag:s20], $0x4000  }
0x5c: {  	[sflag:s20] =	ssyncset.done $0x0  }
0x5d: {  	[sflag:s20] =	ssyncadd.s32 $0xFFFFC000  }
0x5e: {  	[spmem:s2] =	stream.indirect.scatter.add.f32 [tilespmem:s18], [sflag:$0x3], $0x80, s23, s16, $0xb8;
	[tilespmem:$0x1E800] =	vst v63  }
0x5f: {  	_ =	swait.ge [sflag:s14], $0x4000  }
0x60: {  	[sflag:s14] =	ssyncset.done $0x0  }
0x61: {  	s26 =	simm.s32 $0x0;
	[sflag:s14] =	ssyncadd.s32 $0xFFFFC000  }
0x62: {  	[tilespmem:s26], [sflag:$0x3] =	stream.linear.gather [hbm4b:s11+s26], $0x1400, $0x38;
	[tilespmem:$0x1E800] =	vst v63  }
0x63: {  	_ =	swait.ge [sflag:s14], $0x1400  }
0x64: {  	[sflag:s14] =	ssyncset.done $0x0  }
0x65: {  	[sflag:s14] =	ssyncadd.s32 $0xFFFFEC00  }
0x66: {  	[tilespmem:s15], [sflag:$0x3] =	stream.linear.gather [hbm4b:s12+s26], $0x1400, $0x38;
	[tilespmem:$0x1E800] =	vst v63  }
0x67: {  	_ =	swait.ge [sflag:s14], $0x1400  }
0x68: {  	[sflag:s14] =	ssyncset.done $0x0  }
0x69: {  	[sflag:s14] =	ssyncadd.s32 $0xFFFFEC00  }
0x6a: {  	[tilespmem:s17], [sflag:$0x1] =	stream.indirect.gather [hbm4b:s4+s16], $0x80, s26, s16, $0xb8;
	[tilespmem:$0x1E800] =	vst v63  }
0x6b: {  	s28 =	simm.s32 $0x80  }
0x6c: {  	[tilespmem:s18], [sflag:$0x2] =	stream.indirect.gather [hbm4b:s4+s16], $0x80, s28, s16, $0xb8;
	[tilespmem:$0x1E800] =	vst v63  }
0x6d: {  	_ =	swait.ge [sflag:s19], $0x4000  }
0x6e: {  	[sflag:s19] =	ssyncset.done $0x0  }
0x6f: {  	s29 =	simm.s32 $0x1400;
	[sflag:s19] =	ssyncadd.s32 $0xFFFFC000  }
0x70: {  	[spmem:s2] =	stream.indirect.scatter.add.f32 [tilespmem:s17], [sflag:$0x3], $0x80, s29, s16, $0xb8;
	[tilespmem:$0x1E800] =	vst v63  }
0x71: {  	_ =	swait.ge [sflag:s14], $0x4000  }
0x72: {  	[sflag:s14] =	ssyncset.done $0x0  }
0x73: {  	s30 =	simm.s32 $0x100;
	[sflag:s14] =	ssyncadd.s32 $0xFFFFC000  }
0x74: {  	[tilespmem:s17], [sflag:$0x1] =	stream.indirect.gather [hbm4b:s4+s16], $0x80, s30, s16, $0xb8;
	[tilespmem:$0x1E800] =	vst v63  }
0x75: {  	_ =	swait.ge [sflag:s20], $0x4000  }
0x76: {  	[sflag:s20] =	ssyncset.done $0x0  }
0x77: {  	s31 =	simm.s32 $0x1480;
	[sflag:s20] =	ssyncadd.s32 $0xFFFFC000  }
0x78: {  	[spmem:s2] =	stream.indirect.scatter.add.f32 [tilespmem:s18], [sflag:$0x3], $0x80, s31, s16, $0xb8;
	[tilespmem:$0x1E800] =	vst v63  }
0x79: {  	_ =	swait.ge [sflag:s14], $0x4000  }
0x7a: {  	s25 =	simm.s32 $0x100;
	s26 =	simm.s32 $0x800;
	[sflag:s14] =	ssyncset.done $0x0  }
.LBB2_4:
0x7b: {  	s28 =	sadd.s32 $0x80, s25  }
0x7c: {  	[sflag:s14] =	ssyncadd.s32 $0xFFFFC000;
	s29 =	smov.u32 s26;
	s30 =	sadd.s32 $0x400, s26  }
0x7d: {  	[tilespmem:s18], [sflag:$0x2] =	stream.indirect.gather [hbm4b:s4+s16], $0x80, s28, s16, $0xb8;
	[tilespmem:$0x1E800] =	vst v63  }
0x7e: {  	p0 =	sne.s32 s26, $0x4800;
	_ =	swait.ge [sflag:s19], $0x4000  }
0x7f: {  	[sflag:s19] =	ssyncset.done $0x0  }
0x80: {  	s26 =	sadd.s32 $0x1400, s25;
	[sflag:s19] =	ssyncadd.s32 $0xFFFFC000  }
0x81: {  	[spmem:s2] =	stream.indirect.scatter.add.f32 [tilespmem:s17], [sflag:$0x3], $0x80, s26, s16, $0xb8;
	[tilespmem:$0x1E800] =	vst v63  }
0x82: {  	_ =	swait.ge [sflag:s14], $0x4000  }
0x83: {  	[sflag:s14] =	ssyncset.done $0x0  }
0x84: {  	s26 =	sadd.s32 $0x100, s25;
	[sflag:s14] =	ssyncadd.s32 $0xFFFFC000  }
0x85: {  	[tilespmem:s17], [sflag:$0x1] =	stream.indirect.gather [hbm4b:s4+s16], $0x80, s26, s16, $0xb8;
	[tilespmem:$0x1E800] =	vst v63  }
0x86: {  	_ =	swait.ge [sflag:s20], $0x4000  }
.Ltmp1:
0x87: {  	[sflag:s20] =	ssyncset.done $0x0;
	(pc) =	sbr.rel @p0 .LBB2_4-.Ltmp1, $4  }
0x88: {  	s25 =	sadd.s32 $0x1480, s25;
	[sflag:s20] =	ssyncadd.s32 $0xFFFFC000  }
0x89: {  	[spmem:s2] =	stream.indirect.scatter.add.f32 [tilespmem:s18], [sflag:$0x3], $0x80, s25, s16, $0xb8;
	[tilespmem:$0x1E800] =	vst v63  }
0x8a: {  	_ =	swait.ge [sflag:s14], $0x4000  }
0x8b: {  	s26 =	smov.u32 s30;
	s25 =	sshra.s32 s29, $0x2;
	[sflag:s14] =	ssyncset.done $0x0  }
0x8c: {  	s26 =	sadd.s32 $0x80, s25;
	[sflag:s14] =	ssyncadd.s32 $0xFFFFC000  }
0x8d: {  	[tilespmem:s18], [sflag:$0x2] =	stream.indirect.gather [hbm4b:s4+s16], $0x80, s26, s16, $0xb8;
	[tilespmem:$0x1E800] =	vst v63  }
0x8e: {  	_ =	swait.ge [sflag:s19], $0x4000  }
0x8f: {  	[sflag:s19] =	ssyncset.done $0x0  }
0x90: {  	s29 =	sadd.s32 $0x1400, s25;
	[sflag:s19] =	ssyncadd.s32 $0xFFFFC000  }
0x91: {  	[spmem:s2] =	stream.indirect.scatter.add.f32 [tilespmem:s17], [sflag:$0x3], $0x80, s29, s16, $0xb8;
	[tilespmem:$0x1E800] =	vst v63  }
0x92: {  	_ =	swait.ge [sflag:s14], $0x4000  }
0x93: {  	[sflag:s14] =	ssyncset.done $0x0  }
0x94: {  	s30 =	sadd.s32 $0x100, s25;
	[sflag:s14] =	ssyncadd.s32 $0xFFFFC000  }
0x95: {  	[tilespmem:s17], [sflag:$0x1] =	stream.indirect.gather [hbm4b:s4+s16], $0x80, s30, s16, $0xb8;
	[tilespmem:$0x1E800] =	vst v63  }
0x96: {  	_ =	swait.ge [sflag:s20], $0x4000  }
0x97: {  	[sflag:s20] =	ssyncset.done $0x0  }
0x98: {  	s31 =	sadd.s32 $0x1480, s25;
	[sflag:s20] =	ssyncadd.s32 $0xFFFFC000  }
0x99: {  	[spmem:s2] =	stream.indirect.scatter.add.f32 [tilespmem:s18], [sflag:$0x3], $0x80, s31, s16, $0xb8;
	[tilespmem:$0x1E800] =	vst v63  }
0x9a: {  	_ =	swait.ge [sflag:s14], $0x4000  }
0x9b: {  	[sflag:s14] =	ssyncset.done $0x0  }
0x9c: {  	[sflag:s14] =	ssyncadd.s32 $0xFFFFC000  }
0x9d: {  	[tilespmem:s18], [sflag:$0x2] =	stream.indirect.gather [hbm4b:s4+s16], $0x80, s21, s16, $0xb8;
	[tilespmem:$0x1E800] =	vst v63  }
0x9e: {  	_ =	swait.ge [sflag:s19], $0x4000  }
0x9f: {  	[sflag:s19] =	ssyncset.done $0x0  }
0xa0: {  	[sflag:s19] =	ssyncadd.s32 $0xFFFFC000  }
0xa1: {  	[spmem:s2] =	stream.indirect.scatter.add.f32 [tilespmem:s17], [sflag:$0x3], $0x80, s22, s16, $0xb8;
	[tilespmem:$0x1E800] =	vst v63  }
0xa2: {  	_ =	swait.ge [sflag:s14], $0x4000  }
0xa3: {  	[sflag:s14] =	ssyncset.done $0x0  }
0xa4: {  	[sflag:s14] =	ssyncadd.s32 $0xFFFFC000  }
0xa5: {  	_ =	swait.ge [sflag:s20], $0x4000  }
0xa6: {  	[sflag:s20] =	ssyncset.done $0x0  }
0xa7: {  	[sflag:s20] =	ssyncadd.s32 $0xFFFFC000  }
0xa8: {  	[spmem:s2] =	stream.indirect.scatter.add.f32 [tilespmem:s18], [sflag:$0x3], $0x80, s23, s16, $0xb8;
	[tilespmem:$0x1E800] =	vst v63  }
0xa9: {  	_ =	swait.ge [sflag:s14], $0x4000  }
0xaa: {  	s24 =	sadd.s32 $0x1, s24;
	[sflag:s14] =	ssyncset.done $0x0  }
0xab: {  	p0 =	sne.s32 s24, s8;
	[sflag:s14] =	ssyncadd.s32 $0xFFFFC000  }
.Ltmp2:
0xac: {  	[bflag:$0x0] =	sbarrier.arrive $0xFFFF;
	(pc) =	sbr.rel @p0 .LBB2_1-.Ltmp2, $4  }
0xad: {  	[hbm:s7], [sflag:s6] =	dma.local [spmem:s13], $0x2800  }
0xae: {  	_ =	swait.ge [sflag:s14], $0x2800  }
0xaf: {  	[sflag:s14] =	ssyncset.done $0x0  }
0xb0: {  	[sflag:s14] =	ssyncadd.s32 $0xFFFFD800  }
0xb1: {  	_ =	sfence.sel $0x180000  }
0xb2: {  	[bflag:$0x0] =	sbarrier.arrive $0xFFFF  }
0xb3: {  	p0 =	sne.s32 s1, $0x0;
	_ =	strace $0x9000004D  }
0xb4: {  	s0 =	sadd.s32 @!p0 $0x100000, s0;
	[bflag:$0x2] =	sbarrier.arrive $0xFFFF  }
0xb5: {  	[sflag:s0] =	ssyncadd.tile.s32 @!p0 $0x1;
	_ =	shalt  }
.Lfunc_end2:
_tile_overlayer_lowered:
.L_overlay_start_2:
0xb6: {  	(tag) =	ssettag $0x2  }
0xb7: {  	s0 =	rddreg [dreg:$0x0];
	s2 =	stileid.u32  }
0xb8: {  	s1 =	rddreg [dreg:$0x1];
	p0 =	sne.s32 s2, $0x0  }
0xb9: {  	s3 =	rddreg [dreg:$0x2];
	[bflag:$0x3] =	sbarrier.arrive $0xFFFF;
	s2 =	simm.s32 @!p0 $0x1C03  }
0xba: {  	[timem:s3], [sflag:s2] =	dma.local @!p0 [hbm:s0], s1  }
0xbb: {  	s0 =	simm.s32 @!p0 $0x3  }
0xbc: {  	_ =	swait.ge @!p0 [sflag:s0], s1  }
0xbd: {  	s1 =	ssub.s32 @!p0 $0x0, s1;
	[sflag:s0] =	ssyncset.done @!p0 $0x0  }
0xbe: {  	[sflag:s0] =	ssyncadd.s32 @!p0 s1  }
0xbf: {  	[bflag:$0x3] =	sbarrier.arrive $0xFFFF  }
0xc0: {  	_ =	shalt  }

// kernel: kernel.9.cloned.1.call-start
scs
__scs_entry_jumppad:
0x0: {  	(pc) =	sbr.rel $0x88, $3  }
0x1: {  	(tag) =	ssettag $0x0;
	lr =	simm.s32 $0x1  }
0x2: {  	[smem:$0x3F9B] =	sst lr;
	_ =	strace $0xD0000000  }
0x3: {  	_ = 	snop  }
0x4: {  	_ = 	snop  }
0x5: {  	_ = 	snop  }
0x6: {  	_ = 	snop  }
0x7: {  	_ = 	snop  }
__scs_overlays_trampoline_lowered:
0x8: {  	[smem:$0x3FAA] =	sst s0  }
0x9: {  	[smem:$0x3FAB] =	sst s1  }
0xa: {  	[smem:$0x3FAC] =	sst s2  }
0xb: {  	[smem:$0x3FAD] =	sst s3  }
0xc: {  	[smem:$0x3FAE] =	sst s4  }
0xd: {  	[smem:$0x3FAF] =	sst s5  }
0xe: {  	[smem:$0x3FB0] =	sst s6  }
0xf: {  	[smem:$0x3FB1] =	sst s7  }
0x10: {  	[smem:$0x3FB2] =	sst s8  }
0x11: {  	[smem:$0x3FB3] =	sst s9;
	s0 =	simm.s32 @!p0 $0x0  }
0x12: {  	s1 =	sld [smem:$0x3F99];
	s0 =	simm.s32 @p0 $0x1  }
0x13: {  	[smem:$0x3FB4] =	sst s0;
	s0 =	simm.s32 @!p1 $0x0  }
0x14: {  	s2 =	sld [smem:$0x3F98];
	s0 =	simm.s32 @p1 $0x1  }
0x15: {  	[smem:$0x3FB5] =	sst s0;
	s0 =	simm.s32 @!p2 $0x0  }
0x16: {  	s3 =	sld [smem:$0x3FDB];
	s0 =	simm.s32 @p2 $0x1  }
0x17: {  	s4 =	simm.s32 $0x1BF5;
	[smem:$0x3FB7] =	sst s0  }
0x18: {  	s0 =	sld [smem:$0x3F9A];
	_ =	swait.ge [sflag:s4], $0x0  }
0x19: {  	s7 =	sld [smem:$0x3F9B]  }
0x1a: {  	s8 =	sadd.s32 $0xFFFFE003, lr  }
0x1b: {  	s9 =	sadd.s32 $0xFFFFFEF7, lr;
	s5 =	simm.s32 $0xFFFFFFFF;
	p2 =	slt.u32 s8, $0xFFFFF086  }
0x1c: {  	p1 =	slt.u32 s9, $0xF7A;
	s5 =	simm.s32 @!p2 $0x0  }
0x1d: {  	s5 =	simm.s32 @p1 $0x1;
	p0 =	seq.s32 s7, s2  }
0x1e: {  	s7 =	smul.u32 @!p0 $0xF7A, s2;
	p2 =	seq.s32 @!p0 s5, $0x0  }
0x1f: {  	s9 =	smul.u32 $0xF7A, s1;
	s8 =	simm.s32 @!p0 $0x1BF5;
	p2 =	por !p2, p0  }
0x20: {  	[sflag:s8] =	ssyncset.s32 @!p0 $0xFFFFF086;
	s6 =	sadd.s32 @!p0 s3, s7;
	s7 =	simm.s32 @!p0 $0x108  }
0x21: {  	s3 =	sadd.s32 s3, s9;
	s6 =	sadd.s32 @!p0 $0x88, s6;
	s7 =	simm.s32 @p2 $0x1082  }
0x22: {  	[simem:s7], [sflag:s8] =	dma.local @!p0 [hbm:s6], $0xF7A  }
0x23: {  	s9 =	sor.u32 $0xD0000000, s2;
	s6 =	simm.s32 $0x108;
	_ =	swait.ge @!p0 [sflag:s8], $0x0  }
0x24: {  	s3 =	sadd.s32 $0x88, s3;
	s6 =	simm.s32 @!p1 $0x1082;
	[sflag:s4] =	ssyncset.s32 $0xFFFFF086  }
0x25: {  	[simem:s6], [sflag:s4] =	dma.local [hbm:s3], $0xF7A  }
0x26: {  	[smem:$0x3F9B] =	sst s1;
	(tag) =	ssettag s2;
	_ =	strace s9  }
0x27: {  	s1 =	sld [smem:$0x3FAB]  }
0x28: {  	s2 =	sld [smem:$0x3FAC]  }
0x29: {  	s4 =	sld [smem:$0x3FAE]  }
0x2a: {  	p0 =	seq.s32 s5, $0x0;
	s5 =	sld [smem:$0x3FAF]  }
0x2b: {  	s6 =	sld [smem:$0x3FB0]  }
0x2c: {  	s7 =	sld [smem:$0x3FB1]  }
0x2d: {  	s3 =	simm.s32 $0x108;
	s8 =	sld [smem:$0x3FB2]  }
0x2e: {  	s3 =	simm.s32 @!p0 $0x1082;
	s9 =	sld [smem:$0x3FB3]  }
0x2f: {  	lr =	sadd.s32 s0, s3;
	s0 =	sld [smem:$0x3FAA]  }
0x30: {  	s3 =	sld [smem:$0x3FAD]  }
0x31: {  	[smem:$0x3FB6] =	sst s10  }
0x32: {  	s10 =	sld [smem:$0x3FB4];
	_ =	sdelay $0x3  }
0x33: {  	p0 =	seq.s32 s10, $0x1;
	s10 =	sld [smem:$0x3FB6];
	_ =	sdelay $0x3  }
0x34: {  	[smem:$0x3FB6] =	sst s10  }
0x35: {  	s10 =	sld [smem:$0x3FB5];
	_ =	sdelay $0x3  }
0x36: {  	p1 =	seq.s32 s10, $0x1;
	s10 =	sld [smem:$0x3FB6];
	_ =	sdelay $0x3  }
0x37: {  	[smem:$0x3FB6] =	sst s10  }
0x38: {  	s10 =	sld [smem:$0x3FB7]  }
0x39: {  	_ = 	snop;
	(pc) =	sbr.ind lr, $3  }
0x3a: {  	_ = 	snop  }
0x3b: {  	_ = 	snop  }
0x3c: {  	p2 =	seq.s32 s10, $0x1;
	s10 =	sld [smem:$0x3FB6]  }
0x3d: {  	_ =	shalt  }
0x3e: {  	_ =	shalt  }
0x3f: {  	_ =	shalt  }
0x40: {  	_ =	shalt  }
0x41: {  	_ =	shalt  }
0x42: {  	_ =	shalt  }
0x43: {  	_ =	shalt  }
0x44: {  	_ =	shalt  }
0x45: {  	_ =	shalt  }
0x46: {  	_ =	shalt  }
0x47: {  	_ =	shalt  }
0x48: {  	_ =	shalt  }
0x49: {  	_ =	shalt  }
0x4a: {  	_ =	shalt  }
0x4b: {  	_ =	shalt  }
0x4c: {  	_ =	shalt  }
0x4d: {  	_ =	shalt  }
0x4e: {  	_ =	shalt  }
0x4f: {  	_ =	shalt  }
0x50: {  	_ =	shalt  }
0x51: {  	_ =	shalt  }
0x52: {  	_ =	shalt  }
0x53: {  	_ =	shalt  }
0x54: {  	_ =	shalt  }
0x55: {  	_ =	shalt  }
0x56: {  	_ =	shalt  }
0x57: {  	_ =	shalt  }
0x58: {  	_ =	shalt  }
0x59: {  	_ =	shalt  }
0x5a: {  	_ =	shalt  }
0x5b: {  	_ =	shalt  }
0x5c: {  	_ =	shalt  }
0x5d: {  	_ =	shalt  }
0x5e: {  	_ =	shalt  }
0x5f: {  	_ =	shalt  }
0x60: {  	_ =	shalt  }
0x61: {  	_ =	shalt  }
0x62: {  	_ =	shalt  }
0x63: {  	_ =	shalt  }
0x64: {  	_ =	shalt  }
0x65: {  	_ =	shalt  }
0x66: {  	_ =	shalt  }
0x67: {  	_ =	shalt  }
0x68: {  	_ =	shalt  }
0x69: {  	_ =	shalt  }
0x6a: {  	_ =	shalt  }
0x6b: {  	_ =	shalt  }
0x6c: {  	_ =	shalt  }
0x6d: {  	_ =	shalt  }
0x6e: {  	_ =	shalt  }
0x6f: {  	_ =	shalt  }
0x70: {  	_ =	shalt  }
0x71: {  	_ =	shalt  }
0x72: {  	_ =	shalt  }
0x73: {  	_ =	shalt  }
0x74: {  	_ =	shalt  }
0x75: {  	_ =	shalt  }
0x76: {  	_ =	shalt  }
0x77: {  	_ =	shalt  }
0x78: {  	_ =	shalt  }
0x79: {  	_ =	shalt  }
0x7a: {  	_ =	shalt  }
0x7b: {  	_ =	shalt  }
0x7c: {  	_ =	shalt  }
0x7d: {  	_ =	shalt  }
0x7e: {  	_ =	shalt  }
0x7f: {  	_ =	shalt  }
0x80: {  	_ =	shalt  }
0x81: {  	_ =	shalt  }
0x82: {  	_ =	shalt  }
0x83: {  	_ =	shalt  }
0x84: {  	_ =	shalt  }
0x85: {  	_ =	shalt  }
0x86: {  	_ =	shalt  }
0x87: {  	_ =	shalt  }
.Lfunc_end0:
.L_simem_size_0:
called_computation_lowered:
.L_overlay_start_0:
0x88: {  	s2 =	sld [smem:$0x3FD9]  }
0x89: {  	s3 =	sld [smem:$0x3FFE];
	_ =	sdelay $0x1  }
0x8a: {  	s1 =	srdreg.scid  }
0x8b: {  	s0 =	sand.u32 $0x1, s1  }
0x8c: {  	s16 =	sshll.u32 s0, $0xA;
	s2 =	sadd.s32 s3, s2  }
0x8d: {  	s2 =	sadd.s32 s2, s16  }
0x8e: {  	[smem:$0x3FC2] =	sst s2  }
0x8f: {  	_ = 	snop  }
0x90: {  	(tm) =	ssettm $0x1  }
0x91: {  	s17 =	sld [smem:$0x3FFB];
	_ =	sdelay $0x3  }
0x92: {  	_ =	strace s17  }
0x93: {  	s2 =	sld [smem:$0x3FFC];
	_ =	sdelay $0x3  }
0x94: {  	_ =	strace s2  }
0x95: {  	s2 =	sld [smem:$0x3FFD];
	_ =	sdelay $0x3  }
0x96: {  	_ =	strace s2  }
0x97: {  	_ =	strace $0x8FFFFFFF  }
0x98: {  	s18 =	sld [smem:$0x3FDB];
	_ =	sdelay $0x1  }
0x99: {  	s19 =	simm.s32 $_scs_section_size  }
0x9a: {  	s4 =	simm.s32 $_size__tile_overlayer_lowered;
	s5 =	simm.s32 $_tile_overlayer_lowered  }
0x9b: {  	s22 =	simm.s32 $0x1BFF;
	s21 =	sshll.u32 s5, $0x1;
	s2 =	sadd.s32 s19, s18  }
0x9c: {  	s6 =	simm.s32 $0x0;
	s20 =	sshll.u32 s4, $0x1;
	s4 =	sadd.s32 s21, s2  }
0x9d: {  	[timem:s6], [sflag:s22] =	dma.local [hbm:s4], s20  }
0x9e: {  	_ =	swait.ge [sflag:s22], s20  }
0x9f: {  	s3 =	ssub.s32 $0x0, s20;
	[sflag:s22] =	ssyncset.done $0x0  }
0xa0: {  	[sflag:s22] =	ssyncadd.s32 s3;
	_ =	sdelay $0x1  }
0xa1: {  	s23 =	simm.s32 $0x1B8B  }
0xa2: {  	_ =	swait.ge [sflag:s23], $0x1  }
0xa3: {  	[sflag:s23] =	ssyncset.done $0x0  }
0xa4: {  	s25 =	simm.s32 $0x1B8E;
	s24 =	sld [smem:$0x3FFE];
	[sflag:s23] =	ssyncadd.s32 $0xFFFFFFFF  }
0xa5: {  	s26 =	simm.s32 $execute0_lowered;
	[smem:$0x3FD2] =	sst s25  }
0xa6: {  	s4 =	sshll.u32 s26, $0x1;
	_ =	strace $0x80000046;
	[dreg:$0x1] =	wrdreg $0xFFFFFFFF  }
0xa7: {  	s28 =	simm.s32 $_size_execute0_lowered;
	s2 =	sadd.s32 s2, s4;
	[dreg:$0x0] =	wrdreg $0x0  }
0xa8: {  	s4 =	sshll.u32 s28, $0x1;
	[dreg:$0x2] =	wrdreg s2  }
0xa9: {  	[dreg:$0x3] =	wrdreg s4  }
0xaa: {  	[dreg:$0x4] =	wrdreg $0xC0  }
0xab: {  	_ =	task [dreg:s6], $0x5FFFF  }
0xac: {  	[dreg:$0x1] =	wrdreg $0xFFFFFFFF  }
0xad: {  	[dreg:$0x0] =	wrdreg $0x60  }
0xae: {  	[dreg:$0x2] =	wrdreg s24  }
0xaf: {  	[dreg:$0x3] =	wrdreg $0x80000  }
0xb0: {  	[dreg:$0x4] =	wrdreg $0x9  }
0xb1: {  	_ =	task.clear_ibuf [dreg:s6], $0x5FFFF;
	_ =	strace $0x90000046  }
0xb2: {  	s29 =	simm.s32 $0x9;
	_ =	strace $0x80000048  }
0xb3: {  	_ =	swait.ge [sflag:s29], $0x1  }
0xb4: {  	[sflag:s29] =	ssyncadd.s32 $0xFFFFFFFF  }
0xb5: {  	_ =	strace $0x90000048  }
0xb6: {  	_ =	sfence  }
0xb7: {  	s30 =	sld [smem:$0x0];
	_ =	sdelay $0x2  }
0xb8: {  	s31 =	sshll.u32 s1, $0xD;
	s1 =	sshrl.u32 s1, $0x2  }
0xb9: {  	s3 =	sand.u32 $0x4000, s31;
	s1 =	sadd.s32 s1, s30  }
0xba: {  	s0 =	sor.u32 s3, s0;
	s1 =	sshll.u32 s1, $0x11  }
0xbb: {  	s0 =	sor.u32 s1, s0  }
0xbc: {  	s0 =	sadd.s32 $0x8F2B, s0  }
0xbd: {  	[sflag:s0] =	ssyncadd.remote.s32 $0x1  }
0xbe: {  	_ =	sfence.sel $0xFFFF  }
0xbf: {  	[dreg:$0x0] =	wrdreg $0xFFFFFFFF;
	(pc) =	sbr.abs _section_cstart, $3  }
0xc0: {  	[dreg:$0x1] =	wrdreg $0xFFFFFFFF  }
0xc1: {  	_ =	task.clear_ibuf [dreg:s6], $0x2FFFF;
	_ =	strace $0x9FFFFFFF  }
0xc2: {  	(tm) =	ssettm $0x7FFFFFFF  }
0xc3: {  	_ =	shalt  }
tec
execute0_lowered:
.L_overlay_start_1:
0x0: {  	(tag) =	ssettag $0x1  }
0x1: {  	s4 =	rddreg [dreg:$0x0]  }
0x2: {  	s2 =	rddreg [dreg:$0x1];
	s1 =	srdreg.scid  }
0x3: {  	s0 =	rddreg [dreg:$0x2];
	s3 =	simm.s32 $0x0;
	s10 =	simm.s32 $0x80  }
0x4: {  	s11 =	simm.s32 $0x2800;
	s12 =	simm.s32 $0x5800;
	s5 =	sand.u32 $0x1, s1  }
0x5: {  	s13 =	simm.s32 $0x0;
	s1 =	stileid.u32;
	s6 =	smul.u32 $0x28000, s5  }
0x6: {  	[smem:$0x7FF] =	sst s3;
	s7 =	sshll.u32 s1, $0x1;
	s8 =	smul.u32 $0x2800, s1  }
0x7: {  	_ =	strace $0x80000047;
	s29 =	smul.u32 $0xA000, s1;
	s7 =	sor.u32 s5, s7  }
0x8: {  	s5 =	ssub.s32 $0x2, s5;
	s7 =	smul.u32 $0x500, s7;
	s6 =	sadd.s32 s8, s6  }
0x9: {  	s30 =	sshrl.u32 s5, $0x1;
	s31 =	sshrl.u32 s29, $0x2;
	s8 =	simm.s32 $0x1  }
0xa: {  	s6 =	sshrl.u32 s6, $0x3;
	s9 =	ssub.s32 s5, s30;
	s7 =	sadd.s32 s7, s4  }
0xb: {  	s5 =	sadd.s32 s31, s2;
	s6 =	sadd.s32 s6, s4;
	s4 =	sadd.s32 $0x2400, s7  }
0xc: {  	v0 =	vimm.f32 $1.000000000e+00;
	v1 =	vimm.f32 $0.0e+00;
	s6 =	sadd.s32 $0xC400, s6;
	s7 =	smax.u32 s9, $0x1;
	s9 =	simm.s32 $0x3000  }
.LBB2_1:
0xd: {  	[tilespmem:s3], [sflag:$0x1] =	stream.linear.gather [hbm4b:s4+s3], $0x2800, $0x38;
	[tilespmem:$0xA800] =	vst v63  }
0xe: {  	_ =	swait.ge [sflag:s8], $0x2800  }
0xf: {  	[sflag:s8] =	ssyncset.done $0x0  }
0x10: {  	s14 =	simm.s32 $0x0;
	[sflag:s8] =	ssyncadd.s32 $0xFFFFD800  }
.LBB2_2:
0x11: {  	p0 =	sne.s32 s14, $0x1FC0  }
.Ltmp0:
0x12: {  	_ = 	snop;
	(pc) =	sbr.rel @p0 .LBB2_2-.Ltmp0, $3  }
0x13: {  	_ =	sdelay $0x1  }
0x14: {  	s15 =	sshra.s32 s14, $0x2  }
0x15: {  	s14 =	sadd.s32 $0x40, s14;
	[tilespmem:s15+$0x2800] =	vst v0  }
0x16: {  	s14 =	simm.s32 $0x40;
	s15 =	simm.s32 $0x0  }
.LBB2_4:
0x17: {  	p0 =	sne.s32 s14, $0x9FC0;
	[tilespmem:s15+$0x3000] =	vst v1;
	s15 =	smov.u32 s14;
	s14 =	sadd.s32 $0x40, s14  }
.Ltmp1:
0x18: {  	(pc) =	sbr.rel @p0 .LBB2_4-.Ltmp1, $2  }
0x19: {  	_ =	sdelay $0x2  }
0x1a: {  	s15 =	sshra.s32 s15, $0x2  }
0x1b: {  	[tilespmem:s15+$0x3000] =	vst v1  }
0x1c: {  	[spmem:s5] =	stream.linear.scatter [tilespmem:s9], [sflag:$0x1], $0x2800, $0x38;
	[tilespmem:$0xA800] =	vst v63  }
0x1d: {  	_ =	swait.ge [sflag:s8], $0x2800  }
0x1e: {  	[sflag:s8] =	ssyncset.done $0x0  }
0x1f: {  	[sflag:s8] =	ssyncadd.s32 $0xFFFFD800  }
0x20: {  	s14 =	simm.s32 $0x0;
	[bflag:$0x0] =	sbarrier.arrive $0xFFFF  }
0x21: {  	[spmem:s2] =	stream.indirect.scatter.add.f32 [tilespmem:s11], [sflag:$0x1], $0x10, s14, s10, $0xb8;
	[tilespmem:$0xA800] =	vst v63  }
0x22: {  	_ =	swait.ge [sflag:s8], $0x800  }
0x23: {  	s14 =	simm.s32 $0x200;
	[sflag:s8] =	ssyncset.done $0x0  }
.LBB2_6:
0x24: {  	s15 =	sshra.s32 s14, $0x2;
	[sflag:s8] =	ssyncadd.s32 $0xFFFFF800;
	p0 =	sne.s32 s14, $0x9E00  }
0x25: {  	[spmem:s2] =	stream.indirect.scatter.add.f32 [tilespmem:s11], [sflag:$0x1], $0x10, s15, s10, $0xb8;
	[tilespmem:$0xA800] =	vst v63  }
.Ltmp2:
0x26: {  	_ = 	snop;
	(pc) =	sbr.rel @p0 .LBB2_6-.Ltmp2, $4  }
0x27: {  	_ = 	snop  }
0x28: {  	s14 =	sadd.s32 $0x200, s14  }
0x29: {  	_ =	swait.ge [sflag:s8], $0x800  }
0x2a: {  	[sflag:s8] =	ssyncset.done $0x0  }
0x2b: {  	[sflag:s8] =	ssyncadd.s32 $0xFFFFF800  }
0x2c: {  	[bflag:$0x0] =	sbarrier.arrive $0xFFFF  }
0x2d: {  	[tilespmem:s9], [sflag:$0x1] =	stream.linear.gather [spmem:s5], $0x2800, $0x38;
	[tilespmem:$0xA800] =	vst v63  }
0x2e: {  	_ =	swait.ge [sflag:s8], $0x2800  }
0x2f: {  	[sflag:s8] =	ssyncset.done $0x0  }
0x30: {  	s14 =	simm.s32 $0x0;
	[sflag:s8] =	ssyncadd.s32 $0xFFFFD800  }
0x31: {  	v5 =	vld [tilespmem:s14+$0x3070]  }
0x32: {  	v6 =	vld [tilespmem:s14+$0x3000]  }
0x33: {  	v7 =	vld [tilespmem:s14+$0x3010]  }
0x34: {  	v4 =	vld [tilespmem:s14+$0x3020]  }
0x35: {  	v2 =	vld [tilespmem:s14+$0x3030]  }
0x36: {  	v3 =	vld [tilespmem:s14+$0x3040];
	[tilespmem:s14+$0x5870] =	vst v5  }
0x37: {  	[tilespmem:s14+$0x5800] =	vst v6;
	v5 =	vld [tilespmem:s14+$0x3050]  }
0x38: {  	s15 =	simm.s32 $0x80;
	s16 =	simm.s32 $0x400;
	[tilespmem:s14+$0x5810] =	vst v7;
	v6 =	vld [tilespmem:s14+$0x3060]  }
.LBB2_8:
0x39: {  	p0 =	sne.s32 s16, $0x9E00;
	v7 =	vld [tilespmem:s15+$0x3070];
	[tilespmem:s14+$0x5820] =	vst v4  }
0x3a: {  	v8 =	vld [tilespmem:s15+$0x3000];
	[tilespmem:s14+$0x5830] =	vst v2  }
0x3b: {  	v9 =	vld [tilespmem:s15+$0x3010];
	[tilespmem:s14+$0x5840] =	vst v3  }
.Ltmp3:
0x3c: {  	v4 =	vld [tilespmem:s15+$0x3020];
	[tilespmem:s14+$0x5850] =	vst v5;
	(pc) =	sbr.rel @p0 .LBB2_8-.Ltmp3, $4  }
0x3d: {  	v2 =	vld [tilespmem:s15+$0x3030];
	[tilespmem:s14+$0x5860] =	vst v6;
	s14 =	smov.u32 s15  }
0x3e: {  	v3 =	vld [tilespmem:s14+$0x3040];
	[tilespmem:s14+$0x5870] =	vst v7  }
0x3f: {  	[tilespmem:s14+$0x5800] =	vst v8;
	v5 =	vld [tilespmem:s14+$0x3050]  }
0x40: {  	s15 =	sshra.s32 s16, $0x2;
	s16 =	sadd.s32 $0x200, s16;
	[tilespmem:s14+$0x5810] =	vst v9;
	v6 =	vld [tilespmem:s14+$0x3060]  }
0x41: {  	v7 =	vld [tilespmem:s15+$0x3070];
	[tilespmem:s14+$0x5820] =	vst v4  }
0x42: {  	v4 =	vld [tilespmem:s15+$0x3000];
	[tilespmem:s14+$0x5830] =	vst v2  }
0x43: {  	v2 =	vld [tilespmem:s15+$0x3010];
	[tilespmem:s14+$0x5840] =	vst v3  }
0x44: {  	v3 =	vld [tilespmem:s15+$0x3020];
	[tilespmem:s14+$0x5850] =	vst v5  }
0x45: {  	v5 =	vld [tilespmem:s15+$0x3030];
	[tilespmem:s14+$0x5860] =	vst v6  }
0x46: {  	v6 =	vld [tilespmem:s15+$0x3040];
	[tilespmem:s15+$0x5870] =	vst v7  }
0x47: {  	v63 =	vld [tilespmem:s15+$0x3050];
	[tilespmem:s15+$0x5800] =	vst v4  }
0x48: {  	[tilespmem:s15+$0x5810] =	vst v2;
	v2 =	vld [tilespmem:s15+$0x3060]  }
0x49: {  	[tilespmem:s15+$0x5820] =	vst v3  }
0x4a: {  	[tilespmem:s15+$0x5830] =	vst v5  }
0x4b: {  	s13 =	sadd.s32 $0x1, s13;
	[tilespmem:s15+$0x5840] =	vst v6  }
0x4c: {  	p0 =	sne.s32 s13, s7;
	[tilespmem:s15+$0x5850] =	vst v63  }
.Ltmp4:
0x4d: {  	[tilespmem:s15+$0x5860] =	vst v2;
	(pc) =	sbr.rel @p0 .LBB2_1-.Ltmp4, $4  }
0x4e: {  	[hbm4b:s6+s3] =	stream.linear.scatter [tilespmem:s12], [sflag:$0x1], $0x2800, $0x38;
	[tilespmem:$0xA800] =	vst v63  }
0x4f: {  	_ =	swait.ge [sflag:s8], $0x2800  }
0x50: {  	[sflag:s8] =	ssyncset.done $0x0  }
0x51: {  	[sflag:s8] =	ssyncadd.s32 $0xFFFFD800  }
0x52: {  	_ =	sfence.sel $0x180000  }
0x53: {  	[bflag:$0x0] =	sbarrier.arrive $0xFFFF  }
0x54: {  	p0 =	sne.s32 s1, $0x0;
	_ =	strace $0x90000047  }
0x55: {  	s0 =	sadd.s32 @!p0 $0x100000, s0;
	[bflag:$0x2] =	sbarrier.arrive $0xFFFF  }
0x56: {  	[sflag:s0] =	ssyncadd.tile.s32 @!p0 $0x1;
	_ =	shalt  }
.Lfunc_end2:
_tile_overlayer_lowered:
.L_overlay_start_2:
0x57: {  	(tag) =	ssettag $0x2  }
0x58: {  	s0 =	rddreg [dreg:$0x0];
	s2 =	stileid.u32  }
0x59: {  	s1 =	rddreg [dreg:$0x1];
	p0 =	sne.s32 s2, $0x0  }
0x5a: {  	s3 =	rddreg [dreg:$0x2];
	[bflag:$0x3] =	sbarrier.arrive $0xFFFF;
	s2 =	simm.s32 @!p0 $0x1C01  }
0x5b: {  	[timem:s3], [sflag:s2] =	dma.local @!p0 [hbm:s0], s1  }
0x5c: {  	s0 =	simm.s32 @!p0 $0x1  }
0x5d: {  	_ =	swait.ge @!p0 [sflag:s0], s1  }
0x5e: {  	s1 =	ssub.s32 @!p0 $0x0, s1;
	[sflag:s0] =	ssyncset.done @!p0 $0x0  }
0x5f: {  	[sflag:s0] =	ssyncadd.s32 @!p0 s1  }
0x60: {  	[bflag:$0x3] =	sbarrier.arrive $0xFFFF  }
0x61: {  	_ =	shalt  }

</sc_bundles>
